<compile_context>
chip_gen: v7x
topology: tpu7x:2x2x1
jax: 0.10.2.dev20260603
libtpu: 0.0.44.dev20260713+nightly
codegen_flags: <defaults>
</compile_context>

<pallas_src>
import jax
import jax.numpy as jnp
from jax import lax
from jax.experimental import pallas as pl
from jax.experimental.pallas import tpu as pltpu
from jax.experimental.pallas import tpu_sc as plsc

HID = 128
N_NODES = 10000
N_EDGES = 320000

NC, NS = 2, 16
NW = NC * NS

CHUNK = 80
RING = 5
E_PER_W = N_EDGES // NW
E_CHUNKS = E_PER_W // CHUNK
E_SUPER = E_CHUNKS // RING

X_PER_W = 312
X_SUB = 104
X_TAIL = N_NODES - NW * X_PER_W

TC_BLK = 6400
TC_GRID = N_EDGES // (2 * TC_BLK)


def _sc_body(x_idx, X_idx, xt, tt, out_x, out_t,
             it_v, ix_v, xt_v, tt_v,
             b0, b1, b2, b3, b4, xb0, xb1, xb2, xbt, sem_g, sem_s):
    bufs = (b0, b1, b2, b3, b4)
    xbufs = (xb0, xb1, xb2)
    wid = lax.axis_index("s") * NC + lax.axis_index("c")

    pltpu.sync_copy(X_idx.at[pl.ds(wid * E_PER_W, E_PER_W)], it_v)
    pltpu.sync_copy(x_idx.at[pl.ds(wid * X_PER_W, X_PER_W)],
                    ix_v.at[pl.ds(0, X_PER_W)])

    @pl.when(lax.axis_index("s") == 0)
    def _stage_tables():
        pltpu.sync_copy(xt, xt_v)
        pltpu.sync_copy(tt, tt_v)

    plsc.subcore_barrier()

    def super_chunk(i):
        descs = []
        for r in range(RING):
            off = pl.multiple_of((i * RING + r) * CHUNK, CHUNK)
            pltpu.async_copy(
                tt_v.at[it_v.at[pl.ds(off, CHUNK)]], bufs[r], sem_g).wait()
            descs.append(pltpu.async_copy(
                bufs[r],
                out_t.at[pl.ds(pl.multiple_of(wid * E_PER_W + off, CHUNK),
                               CHUNK)],
                sem_s))
        for d in descs:
            d.wait()

    def body(i, _):
        super_chunk(i)
        return 0
    lax.fori_loop(0, E_SUPER, body, 0)

    xdescs = []
    for r in range(3):
        off = pl.multiple_of(r * X_SUB, 8)
        pltpu.async_copy(
            xt_v.at[ix_v.at[pl.ds(off, X_SUB)]], xbufs[r], sem_g).wait()
        xdescs.append(pltpu.async_copy(
            xbufs[r],
            out_x.at[pl.ds(pl.multiple_of(wid * X_PER_W, 8) + off, X_SUB)],
            sem_s))

    @pl.when(wid == NW - 1)
    def _tail():
        pltpu.sync_copy(x_idx.at[pl.ds(NW * X_PER_W, X_TAIL)],
                        ix_v.at[pl.ds(X_PER_W, X_TAIL)])
        pltpu.async_copy(
            xt_v.at[ix_v.at[pl.ds(X_PER_W, X_TAIL)]], xbt, sem_g).wait()
        pltpu.async_copy(
            xbt, out_x.at[pl.ds(NW * X_PER_W, X_TAIL)], sem_s).wait()

    for d in xdescs:
        d.wait()


def _tc_body(idx_ref, tab_ref, out_ref, hi_s, lo_s):
    i = pl.program_id(0)

    @pl.when(i == 0)
    def _build_tab2():
        tab = tab_ref[...]
        hi = tab.astype(jnp.bfloat16)
        lo = (tab - hi.astype(jnp.float32)).astype(jnp.bfloat16)
        zero = jnp.zeros((16, HID), jnp.bfloat16)
        hi_s[:16, :HID] = hi
        hi_s[:16, HID:] = zero
        hi_s[16:, :HID] = zero
        hi_s[16:, HID:] = hi
        lo_s[:16, :HID] = lo
        lo_s[:16, HID:] = zero
        lo_s[16:, :HID] = zero
        lo_s[16:, HID:] = lo

    idx = idx_ref[pl.ds(i * 2 * TC_BLK, 2 * TC_BLK)]
    k = lax.broadcasted_iota(jnp.int32, (TC_BLK, 32), 1)
    idxsel = jnp.where(k < 16, idx[:TC_BLK, None], idx[TC_BLK:, None])
    oh = (idxsel == (k & 15)).astype(jnp.bfloat16)
    res = (jnp.dot(oh, hi_s[...], preferred_element_type=jnp.float32) +
           jnp.dot(oh, lo_s[...], preferred_element_type=jnp.float32))
    out_ref[:TC_BLK, :] = res[:, :HID]
    out_ref[TC_BLK:, :] = res[:, HID:]


@jax.jit
def _encode(x_idx, A, X, x_table, ea_table, tuple_table):
    mesh = plsc.VectorSubcoreMesh(core_axis_name="c", subcore_axis_name="s",
                                  num_cores=NC, num_subcores=NS)
    sc_run = pl.kernel(
        _sc_body,
        out_type=(
            jax.ShapeDtypeStruct((N_NODES, HID), jnp.float32),
            jax.ShapeDtypeStruct((N_EDGES, HID), jnp.float32),
        ),
        mesh=mesh,
        scratch_types=[
            pltpu.VMEM((E_PER_W,), jnp.int32),
            pltpu.VMEM((X_PER_W + X_TAIL,), jnp.int32),
            pltpu.VMEM_SHARED((32, HID), jnp.float32),
            pltpu.VMEM_SHARED((16, HID), jnp.float32),
        ] + [pltpu.VMEM((CHUNK, HID), jnp.float32) for _ in range(RING)]
          + [pltpu.VMEM((X_SUB, HID), jnp.float32) for _ in range(3)]
          + [pltpu.VMEM((X_TAIL, HID), jnp.float32),
             pltpu.SemaphoreType.DMA, pltpu.SemaphoreType.DMA],
    )
    out_x, out_t = sc_run(x_idx, X, x_table, tuple_table)

    out_a = pl.pallas_call(
        _tc_body,
        grid=(TC_GRID,),
        in_specs=[
            pl.BlockSpec((N_EDGES,), lambda i: (0,)),
            pl.BlockSpec((16, HID), lambda i: (0, 0)),
        ],
        out_specs=pl.BlockSpec((2 * TC_BLK, HID), lambda i: (i, 0)),
        out_shape=jax.ShapeDtypeStruct((N_EDGES, HID), jnp.float32),
        scratch_shapes=[pltpu.VMEM((32, 2 * HID), jnp.bfloat16),
                        pltpu.VMEM((32, 2 * HID), jnp.bfloat16)],
    )(A, ea_table)

    return out_x, out_a, out_t


def kernel(x, A, X, x_table, ea_table, tuple_table):
    return _encode(x.reshape(-1), A, X, x_table, ea_table, tuple_table)

# --- scband reference (transcript-rebuilt; emitter-appended) ---
"""Pipeline reference for scband-input-encoder-ma-82506321756692 (READ-ONLY COPY).

The authoritative reference and input builder live on the scoring server;
editing this copy changes nothing except your own understanding.
"""

import jax, jax.numpy as jnp
import numpy as np

HID = 128
N_NODES = 10000
N_EDGES = 320000


def setup_inputs(seed: int = 0) -> dict:
    key = jax.random.key(seed)
    k1, k2, k3, k4, k5, k6 = jax.random.split(key, 6)
    x = jax.random.randint(k1, (N_NODES, 1), 0, 32, dtype=jnp.int32)
    A = jax.random.randint(k2, (N_EDGES,), 0, 16, dtype=jnp.int32)
    X = jax.random.randint(k3, (N_EDGES,), 0, 16, dtype=jnp.int32)
    x_table = jax.random.normal(k4, (32, HID), dtype=jnp.float32)
    ea_table = jax.random.normal(k5, (16, HID), dtype=jnp.float32)
    ea_table = ea_table.at[0].set(0.0)  # padding_idx=0 row is zeros
    tuple_table = jax.random.normal(k6, (16, HID), dtype=jnp.float32)
    return {"x": x, "A": A, "X": X, "x_table": x_table, "ea_table": ea_table, "tuple_table": tuple_table}


def reference(x, A, X, x_table, ea_table, tuple_table):
    # datadict['x'] = x_encoder(x.squeeze(-1))  (tuplewiseapply = elementwise embedding on leaf tensor)
    x_emb = jnp.take(x_table, x.squeeze(-1), axis=0)
    # datadict['A'] = ea_encoder(A)  (Embedding with padding_idx=0)
    A_emb = jnp.take(ea_table, A, axis=0)
    # datadict['X'] = tuplefeat_encoder(X)
    X_emb = jnp.take(tuple_table, X, axis=0)
    return (x_emb, A_emb, X_emb)

if __name__ == "__main__":
    import jax
    _d = setup_inputs()
    print(jax.jit(kernel)(*tuple(_d.values())))

</pallas_src>

<mosaic_0001>
#map = affine_map<(d0, d1) -> (0)>
#map1 = affine_map<(d0, d1) -> (0, 0)>
module attributes {stable_mosaic.version = 14 : i64} {
  func.func @_sc_body(%arg0: i32, %arg1: i32, %arg2: memref<10000xi32, #tpu.memory_space<hbm>>, %arg3: memref<320000xi32, #tpu.memory_space<hbm>>, %arg4: memref<32x128xf32, #tpu.memory_space<hbm>>, %arg5: memref<16x128xf32, #tpu.memory_space<hbm>>, %arg6: memref<10000x128xf32, #tpu.memory_space<hbm>>, %arg7: memref<320000x128xf32, #tpu.memory_space<hbm>>, %arg8: memref<10000xi32, #tpu.memory_space<vmem>>, %arg9: memref<328xi32, #tpu.memory_space<vmem>>, %arg10: memref<32x128xf32, #tpu.memory_space<vmem_shared>>, %arg11: memref<16x128xf32, #tpu.memory_space<vmem_shared>>, %arg12: memref<80x128xf32, #tpu.memory_space<vmem>>, %arg13: memref<80x128xf32, #tpu.memory_space<vmem>>, %arg14: memref<80x128xf32, #tpu.memory_space<vmem>>, %arg15: memref<80x128xf32, #tpu.memory_space<vmem>>, %arg16: memref<80x128xf32, #tpu.memory_space<vmem>>, %arg17: memref<104x128xf32, #tpu.memory_space<vmem>>, %arg18: memref<104x128xf32, #tpu.memory_space<vmem>>, %arg19: memref<104x128xf32, #tpu.memory_space<vmem>>, %arg20: memref<16x128xf32, #tpu.memory_space<vmem>>, %arg21: memref<!tpu.dma_semaphore, #tpu.memory_space<semaphore_mem>>, %arg22: memref<!tpu.dma_semaphore, #tpu.memory_space<semaphore_mem>>) attributes {dimension_semantics = [#tpu.dimension_semantics<core_parallel>, #tpu.dimension_semantics<subcore_parallel>], iteration_bounds = array<i64: 2, 16>, scalar_prefetch = 0 : i64, scratch_operands = 15 : i64, tpu.core_type = #tpu.core_type<sc_vector_subcore>, window_params = [{transform_indices = #map}, {transform_indices = #map}, {transform_indices = #map1}, {transform_indices = #map1}, {transform_indices = #map1}, {transform_indices = #map1}]} {
    %mul3A = arith.constant 2 : i32
    %mul3A_0 = arith.muli %arg1, %mul3A : i32
    %add3A = arith.addi %mul3A_0, %arg0 : i32
    %mul3A_1 = arith.constant 10000 : i32
    %mul3A_2 = arith.muli %add3A, %mul3A_1 : i32
    "tpu.region"() ({
      %run_scoped3A = tpu.sem_alloc : memref<!tpu.dma_semaphore, #tpu.memory_space<semaphore_mem>>
      %dma_start3A_81 = tpu.memref_slice %arg3[%mul3A_2] : memref<320000xi32, #tpu.memory_space<hbm>> -> memref<10000xi32, #tpu.memory_space<hbm>>
      %dma_start3A_82 = tpu.memref_slice %arg3[%mul3A_2] : memref<320000xi32, #tpu.memory_space<hbm>> -> memref<10000xi32, #tpu.memory_space<hbm>>
      tpu.enqueue_dma source(%dma_start3A_82 : memref<10000xi32, #tpu.memory_space<hbm>>) target(%arg8 : memref<10000xi32, #tpu.memory_space<vmem>>) target_semaphore(%run_scoped3A : memref<!tpu.dma_semaphore, #tpu.memory_space<semaphore_mem>>)
      %dma_wait3A_83 = tpu.memref_slice %arg3[%mul3A_2] : memref<320000xi32, #tpu.memory_space<hbm>> -> memref<10000xi32, #tpu.memory_space<hbm>>
      %dma_wait3A_84 = tpu.memref_slice %arg3[%mul3A_2] : memref<320000xi32, #tpu.memory_space<hbm>> -> memref<10000xi32, #tpu.memory_space<hbm>>
      tpu.wait_dma2 semaphore(%run_scoped3A : memref<!tpu.dma_semaphore, #tpu.memory_space<semaphore_mem>>) src(%dma_wait3A_84 : memref<10000xi32, #tpu.memory_space<hbm>>) dst(%arg8 : memref<10000xi32, #tpu.memory_space<vmem>>)
      tpu.yield
    }) : () -> ()
    %mul3A_3 = arith.constant 312 : i32
    %mul3A_4 = arith.muli %add3A, %mul3A_3 : i32
    "tpu.region"() ({
      %run_scoped3A = tpu.sem_alloc : memref<!tpu.dma_semaphore, #tpu.memory_space<semaphore_mem>>
      %dma_start3A_81 = arith.constant 0 : i32
      %dma_start3A_82 = tpu.memref_slice %arg9[%dma_start3A_81] : memref<328xi32, #tpu.memory_space<vmem>> -> memref<312xi32, #tpu.memory_space<vmem>>
      %dma_start3A_83 = tpu.memref_slice %arg2[%mul3A_4] : memref<10000xi32, #tpu.memory_space<hbm>> -> memref<312xi32, #tpu.memory_space<hbm>>
      %dma_start3A_84 = arith.constant 0 : i32
      %dma_start3A_85 = tpu.memref_slice %arg9[%dma_start3A_84] : memref<328xi32, #tpu.memory_space<vmem>> -> memref<312xi32, #tpu.memory_space<vmem>>
      %dma_start3A_86 = tpu.memref_slice %arg2[%mul3A_4] : memref<10000xi32, #tpu.memory_space<hbm>> -> memref<312xi32, #tpu.memory_space<hbm>>
      tpu.enqueue_dma source(%dma_start3A_86 : memref<312xi32, #tpu.memory_space<hbm>>) target(%dma_start3A_85 : memref<312xi32, #tpu.memory_space<vmem>>) target_semaphore(%run_scoped3A : memref<!tpu.dma_semaphore, #tpu.memory_space<semaphore_mem>>)
      %dma_wait3A_87 = arith.constant 0 : i32
      %dma_wait3A_88 = tpu.memref_slice %arg9[%dma_wait3A_87] : memref<328xi32, #tpu.memory_space<vmem>> -> memref<312xi32, #tpu.memory_space<vmem>>
      %dma_wait3A_89 = tpu.memref_slice %arg2[%mul3A_4] : memref<10000xi32, #tpu.memory_space<hbm>> -> memref<312xi32, #tpu.memory_space<hbm>>
      %dma_wait3A_90 = arith.constant 0 : i32
      %dma_wait3A_91 = tpu.memref_slice %arg9[%dma_wait3A_90] : memref<328xi32, #tpu.memory_space<vmem>> -> memref<312xi32, #tpu.memory_space<vmem>>
      %dma_wait3A_92 = tpu.memref_slice %arg2[%mul3A_4] : memref<10000xi32, #tpu.memory_space<hbm>> -> memref<312xi32, #tpu.memory_space<hbm>>
      tpu.wait_dma2 semaphore(%run_scoped3A : memref<!tpu.dma_semaphore, #tpu.memory_space<semaphore_mem>>) src(%dma_wait3A_92 : memref<312xi32, #tpu.memory_space<hbm>>) dst(%dma_wait3A_91 : memref<312xi32, #tpu.memory_space<vmem>>)
      tpu.yield
    }) : () -> ()
    %eq3A = arith.constant 0 : i32
    %eq3A_5 = arith.cmpi eq, %arg1, %eq3A : i32
    %convert_element_type3A = arith.extui %eq3A_5 : i1 to i32
    %cond3A = arith.constant 0 : i32
    %cond3A_6 = arith.cmpi ne, %convert_element_type3A, %cond3A : i32
    scf.if %cond3A_6 {
      "tpu.region"() ({
        %run_scoped3A = tpu.sem_alloc : memref<!tpu.dma_semaphore, #tpu.memory_space<semaphore_mem>>
        tpu.enqueue_dma source(%arg4 : memref<32x128xf32, #tpu.memory_space<hbm>>) target(%arg10 : memref<32x128xf32, #tpu.memory_space<vmem_shared>>) target_semaphore(%run_scoped3A : memref<!tpu.dma_semaphore, #tpu.memory_space<semaphore_mem>>)
        tpu.wait_dma2 semaphore(%run_scoped3A : memref<!tpu.dma_semaphore, #tpu.memory_space<semaphore_mem>>) src(%arg4 : memref<32x128xf32, #tpu.memory_space<hbm>>) dst(%arg10 : memref<32x128xf32, #tpu.memory_space<vmem_shared>>)
        tpu.yield
      }) : () -> ()
      "tpu.region"() ({
        %run_scoped3A = tpu.sem_alloc : memref<!tpu.dma_semaphore, #tpu.memory_space<semaphore_mem>>
        tpu.enqueue_dma source(%arg5 : memref<16x128xf32, #tpu.memory_space<hbm>>) target(%arg11 : memref<16x128xf32, #tpu.memory_space<vmem_shared>>) target_semaphore(%run_scoped3A : memref<!tpu.dma_semaphore, #tpu.memory_space<semaphore_mem>>)
        tpu.wait_dma2 semaphore(%run_scoped3A : memref<!tpu.dma_semaphore, #tpu.memory_space<semaphore_mem>>) src(%arg5 : memref<16x128xf32, #tpu.memory_space<hbm>>) dst(%arg11 : memref<16x128xf32, #tpu.memory_space<vmem_shared>>)
        tpu.yield
      }) : () -> ()
    } else {
    }
    %barrier3A = arith.constant 0 : index
    tpu.barrier barrier_id(%barrier3A)
    %scan3A = arith.constant 0 : i32
    %scan3A_7 = arith.constant 0 : i32
    %scan3A_8 = arith.constant 25 : i32
    %scan3A_9 = arith.addi %scan3A_7, %scan3A_8 : i32
    %scan3A_10 = arith.constant 1 : i32
    %scan3A_11 = scf.for %scan3A_81 = %scan3A_7 to %scan3A_9 step %scan3A_10 iter_args(%scan3A_82 = %scan3A) -> (i32)  : i32 {
      %mul3A_83 = arith.constant 5 : i32
      %mul3A_84 = arith.muli %scan3A_81, %mul3A_83 : i32
      %add3A_85 = arith.constant 0 : i32
      %add3A_86 = arith.addi %mul3A_84, %add3A_85 : i32
      %mul3A_87 = arith.constant 80 : i32
      %mul3A_88 = arith.muli %add3A_86, %mul3A_87 : i32
      %multiple_of3A_89 = tpu.assume_multiple %mul3A_88, 80 : i32
      %dma_start3A_90 = tpu.memref_slice %arg8[%multiple_of3A_89] : memref<10000xi32, #tpu.memory_space<vmem>> -> memref<80xi32, #tpu.memory_space<vmem>>
      %dma_start3A_91 = arith.constant 0 : i32
      %dma_start3A_92 = arith.constant 0 : i32
      %dma_start3A_93 = tpu.memref_slice %arg11[%dma_start3A_91, %dma_start3A_92] : memref<16x128xf32, #tpu.memory_space<vmem_shared>> -> memref<16x128xf32, #tpu.memory_space<vmem_shared>>
      tpu.enqueue_indirect_dma source(%dma_start3A_93 : memref<16x128xf32, #tpu.memory_space<vmem_shared>>) target(%arg12 : memref<80x128xf32, #tpu.memory_space<vmem>>) offsets(%dma_start3A_90 : memref<80xi32, #tpu.memory_space<vmem>>) semaphore(%arg21 : memref<!tpu.dma_semaphore, #tpu.memory_space<semaphore_mem>>)
      %dma_wait3A_94 = tpu.memref_slice %arg8[%multiple_of3A_89] : memref<10000xi32, #tpu.memory_space<vmem>> -> memref<80xi32, #tpu.memory_space<vmem>>
      %dma_wait3A_95 = arith.constant 0 : i32
      %dma_wait3A_96 = arith.constant 0 : i32
      %dma_wait3A_97 = tpu.memref_slice %arg11[%dma_wait3A_95, %dma_wait3A_96] : memref<16x128xf32, #tpu.memory_space<vmem_shared>> -> memref<16x128xf32, #tpu.memory_space<vmem_shared>>
      tpu.wait_indirect_dma semaphore(%arg21 : memref<!tpu.dma_semaphore, #tpu.memory_space<semaphore_mem>>) src(%dma_wait3A_97 : memref<16x128xf32, #tpu.memory_space<vmem_shared>>) dst(%arg12 : memref<80x128xf32, #tpu.memory_space<vmem>>)
      %mul3A_98 = arith.constant 10000 : i32
      %mul3A_99 = arith.muli %add3A, %mul3A_98 : i32
      %add3A_100 = arith.addi %mul3A_99, %multiple_of3A_89 : i32
      %multiple_of3A_101 = tpu.assume_multiple %add3A_100, 80 : i32
      %dma_start3A_102 = arith.constant 0 : i32
      %dma_start3A_103 = tpu.memref_slice %arg7[%multiple_of3A_101, %dma_start3A_102] : memref<320000x128xf32, #tpu.memory_space<hbm>> -> memref<80x128xf32, #tpu.memory_space<hbm>>
      %dma_start3A_104 = arith.constant 0 : i32
      %dma_start3A_105 = tpu.memref_slice %arg7[%multiple_of3A_101, %dma_start3A_104] : memref<320000x128xf32, #tpu.memory_space<hbm>> -> memref<80x128xf32, #tpu.memory_space<hbm>>
      tpu.enqueue_dma source(%arg12 : memref<80x128xf32, #tpu.memory_space<vmem>>) target(%dma_start3A_105 : memref<80x128xf32, #tpu.memory_space<hbm>>) target_semaphore(%arg22 : memref<!tpu.dma_semaphore, #tpu.memory_space<semaphore_mem>>)
      %mul3A_106 = arith.constant 5 : i32
      %mul3A_107 = arith.muli %scan3A_81, %mul3A_106 : i32
      %add3A_108 = arith.constant 1 : i32
      %add3A_109 = arith.addi %mul3A_107, %add3A_108 : i32
      %mul3A_110 = arith.constant 80 : i32
      %mul3A_111 = arith.muli %add3A_109, %mul3A_110 : i32
      %multiple_of3A_112 = tpu.assume_multiple %mul3A_111, 80 : i32
      %dma_start3A_113 = tpu.memref_slice %arg8[%multiple_of3A_112] : memref<10000xi32, #tpu.memory_space<vmem>> -> memref<80xi32, #tpu.memory_space<vmem>>
      %dma_start3A_114 = arith.constant 0 : i32
      %dma_start3A_115 = arith.constant 0 : i32
      %dma_start3A_116 = tpu.memref_slice %arg11[%dma_start3A_114, %dma_start3A_115] : memref<16x128xf32, #tpu.memory_space<vmem_shared>> -> memref<16x128xf32, #tpu.memory_space<vmem_shared>>
      tpu.enqueue_indirect_dma source(%dma_start3A_116 : memref<16x128xf32, #tpu.memory_space<vmem_shared>>) target(%arg13 : memref<80x128xf32, #tpu.memory_space<vmem>>) offsets(%dma_start3A_113 : memref<80xi32, #tpu.memory_space<vmem>>) semaphore(%arg21 : memref<!tpu.dma_semaphore, #tpu.memory_space<semaphore_mem>>)
      %dma_wait3A_117 = tpu.memref_slice %arg8[%multiple_of3A_112] : memref<10000xi32, #tpu.memory_space<vmem>> -> memref<80xi32, #tpu.memory_space<vmem>>
      %dma_wait3A_118 = arith.constant 0 : i32
      %dma_wait3A_119 = arith.constant 0 : i32
      %dma_wait3A_120 = tpu.memref_slice %arg11[%dma_wait3A_118, %dma_wait3A_119] : memref<16x128xf32, #tpu.memory_space<vmem_shared>> -> memref<16x128xf32, #tpu.memory_space<vmem_shared>>
      tpu.wait_indirect_dma semaphore(%arg21 : memref<!tpu.dma_semaphore, #tpu.memory_space<semaphore_mem>>) src(%dma_wait3A_120 : memref<16x128xf32, #tpu.memory_space<vmem_shared>>) dst(%arg13 : memref<80x128xf32, #tpu.memory_space<vmem>>)
      %mul3A_121 = arith.constant 10000 : i32
      %mul3A_122 = arith.muli %add3A, %mul3A_121 : i32
      %add3A_123 = arith.addi %mul3A_122, %multiple_of3A_112 : i32
      %multiple_of3A_124 = tpu.assume_multiple %add3A_123, 80 : i32
      %dma_start3A_125 = arith.constant 0 : i32
      %dma_start3A_126 = tpu.memref_slice %arg7[%multiple_of3A_124, %dma_start3A_125] : memref<320000x128xf32, #tpu.memory_space<hbm>> -> memref<80x128xf32, #tpu.memory_space<hbm>>
      %dma_start3A_127 = arith.constant 0 : i32
      %dma_start3A_128 = tpu.memref_slice %arg7[%multiple_of3A_124, %dma_start3A_127] : memref<320000x128xf32, #tpu.memory_space<hbm>> -> memref<80x128xf32, #tpu.memory_space<hbm>>
      tpu.enqueue_dma source(%arg13 : memref<80x128xf32, #tpu.memory_space<vmem>>) target(%dma_start3A_128 : memref<80x128xf32, #tpu.memory_space<hbm>>) target_semaphore(%arg22 : memref<!tpu.dma_semaphore, #tpu.memory_space<semaphore_mem>>)
      %mul3A_129 = arith.constant 5 : i32
      %mul3A_130 = arith.muli %scan3A_81, %mul3A_129 : i32
      %add3A_131 = arith.constant 2 : i32
      %add3A_132 = arith.addi %mul3A_130, %add3A_131 : i32
      %mul3A_133 = arith.constant 80 : i32
      %mul3A_134 = arith.muli %add3A_132, %mul3A_133 : i32
      %multiple_of3A_135 = tpu.assume_multiple %mul3A_134, 80 : i32
      %dma_start3A_136 = tpu.memref_slice %arg8[%multiple_of3A_135] : memref<10000xi32, #tpu.memory_space<vmem>> -> memref<80xi32, #tpu.memory_space<vmem>>
      %dma_start3A_137 = arith.constant 0 : i32
      %dma_start3A_138 = arith.constant 0 : i32
      %dma_start3A_139 = tpu.memref_slice %arg11[%dma_start3A_137, %dma_start3A_138] : memref<16x128xf32, #tpu.memory_space<vmem_shared>> -> memref<16x128xf32, #tpu.memory_space<vmem_shared>>
      tpu.enqueue_indirect_dma source(%dma_start3A_139 : memref<16x128xf32, #tpu.memory_space<vmem_shared>>) target(%arg14 : memref<80x128xf32, #tpu.memory_space<vmem>>) offsets(%dma_start3A_136 : memref<80xi32, #tpu.memory_space<vmem>>) semaphore(%arg21 : memref<!tpu.dma_semaphore, #tpu.memory_space<semaphore_mem>>)
      %dma_wait3A_140 = tpu.memref_slice %arg8[%multiple_of3A_135] : memref<10000xi32, #tpu.memory_space<vmem>> -> memref<80xi32, #tpu.memory_space<vmem>>
      %dma_wait3A_141 = arith.constant 0 : i32
      %dma_wait3A_142 = arith.constant 0 : i32
      %dma_wait3A_143 = tpu.memref_slice %arg11[%dma_wait3A_141, %dma_wait3A_142] : memref<16x128xf32, #tpu.memory_space<vmem_shared>> -> memref<16x128xf32, #tpu.memory_space<vmem_shared>>
      tpu.wait_indirect_dma semaphore(%arg21 : memref<!tpu.dma_semaphore, #tpu.memory_space<semaphore_mem>>) src(%dma_wait3A_143 : memref<16x128xf32, #tpu.memory_space<vmem_shared>>) dst(%arg14 : memref<80x128xf32, #tpu.memory_space<vmem>>)
      %mul3A_144 = arith.constant 10000 : i32
      %mul3A_145 = arith.muli %add3A, %mul3A_144 : i32
      %add3A_146 = arith.addi %mul3A_145, %multiple_of3A_135 : i32
      %multiple_of3A_147 = tpu.assume_multiple %add3A_146, 80 : i32
      %dma_start3A_148 = arith.constant 0 : i32
      %dma_start3A_149 = tpu.memref_slice %arg7[%multiple_of3A_147, %dma_start3A_148] : memref<320000x128xf32, #tpu.memory_space<hbm>> -> memref<80x128xf32, #tpu.memory_space<hbm>>
      %dma_start3A_150 = arith.constant 0 : i32
      %dma_start3A_151 = tpu.memref_slice %arg7[%multiple_of3A_147, %dma_start3A_150] : memref<320000x128xf32, #tpu.memory_space<hbm>> -> memref<80x128xf32, #tpu.memory_space<hbm>>
      tpu.enqueue_dma source(%arg14 : memref<80x128xf32, #tpu.memory_space<vmem>>) target(%dma_start3A_151 : memref<80x128xf32, #tpu.memory_space<hbm>>) target_semaphore(%arg22 : memref<!tpu.dma_semaphore, #tpu.memory_space<semaphore_mem>>)
      %mul3A_152 = arith.constant 5 : i32
      %mul3A_153 = arith.muli %scan3A_81, %mul3A_152 : i32
      %add3A_154 = arith.constant 3 : i32
      %add3A_155 = arith.addi %mul3A_153, %add3A_154 : i32
      %mul3A_156 = arith.constant 80 : i32
      %mul3A_157 = arith.muli %add3A_155, %mul3A_156 : i32
      %multiple_of3A_158 = tpu.assume_multiple %mul3A_157, 80 : i32
      %dma_start3A_159 = tpu.memref_slice %arg8[%multiple_of3A_158] : memref<10000xi32, #tpu.memory_space<vmem>> -> memref<80xi32, #tpu.memory_space<vmem>>
      %dma_start3A_160 = arith.constant 0 : i32
      %dma_start3A_161 = arith.constant 0 : i32
      %dma_start3A_162 = tpu.memref_slice %arg11[%dma_start3A_160, %dma_start3A_161] : memref<16x128xf32, #tpu.memory_space<vmem_shared>> -> memref<16x128xf32, #tpu.memory_space<vmem_shared>>
      tpu.enqueue_indirect_dma source(%dma_start3A_162 : memref<16x128xf32, #tpu.memory_space<vmem_shared>>) target(%arg15 : memref<80x128xf32, #tpu.memory_space<vmem>>) offsets(%dma_start3A_159 : memref<80xi32, #tpu.memory_space<vmem>>) semaphore(%arg21 : memref<!tpu.dma_semaphore, #tpu.memory_space<semaphore_mem>>)
      %dma_wait3A_163 = tpu.memref_slice %arg8[%multiple_of3A_158] : memref<10000xi32, #tpu.memory_space<vmem>> -> memref<80xi32, #tpu.memory_space<vmem>>
      %dma_wait3A_164 = arith.constant 0 : i32
      %dma_wait3A_165 = arith.constant 0 : i32
      %dma_wait3A_166 = tpu.memref_slice %arg11[%dma_wait3A_164, %dma_wait3A_165] : memref<16x128xf32, #tpu.memory_space<vmem_shared>> -> memref<16x128xf32, #tpu.memory_space<vmem_shared>>
      tpu.wait_indirect_dma semaphore(%arg21 : memref<!tpu.dma_semaphore, #tpu.memory_space<semaphore_mem>>) src(%dma_wait3A_166 : memref<16x128xf32, #tpu.memory_space<vmem_shared>>) dst(%arg15 : memref<80x128xf32, #tpu.memory_space<vmem>>)
      %mul3A_167 = arith.constant 10000 : i32
      %mul3A_168 = arith.muli %add3A, %mul3A_167 : i32
      %add3A_169 = arith.addi %mul3A_168, %multiple_of3A_158 : i32
      %multiple_of3A_170 = tpu.assume_multiple %add3A_169, 80 : i32
      %dma_start3A_171 = arith.constant 0 : i32
      %dma_start3A_172 = tpu.memref_slice %arg7[%multiple_of3A_170, %dma_start3A_171] : memref<320000x128xf32, #tpu.memory_space<hbm>> -> memref<80x128xf32, #tpu.memory_space<hbm>>
      %dma_start3A_173 = arith.constant 0 : i32
      %dma_start3A_174 = tpu.memref_slice %arg7[%multiple_of3A_170, %dma_start3A_173] : memref<320000x128xf32, #tpu.memory_space<hbm>> -> memref<80x128xf32, #tpu.memory_space<hbm>>
      tpu.enqueue_dma source(%arg15 : memref<80x128xf32, #tpu.memory_space<vmem>>) target(%dma_start3A_174 : memref<80x128xf32, #tpu.memory_space<hbm>>) target_semaphore(%arg22 : memref<!tpu.dma_semaphore, #tpu.memory_space<semaphore_mem>>)
      %mul3A_175 = arith.constant 5 : i32
      %mul3A_176 = arith.muli %scan3A_81, %mul3A_175 : i32
      %add3A_177 = arith.constant 4 : i32
      %add3A_178 = arith.addi %mul3A_176, %add3A_177 : i32
      %mul3A_179 = arith.constant 80 : i32
      %mul3A_180 = arith.muli %add3A_178, %mul3A_179 : i32
      %multiple_of3A_181 = tpu.assume_multiple %mul3A_180, 80 : i32
      %dma_start3A_182 = tpu.memref_slice %arg8[%multiple_of3A_181] : memref<10000xi32, #tpu.memory_space<vmem>> -> memref<80xi32, #tpu.memory_space<vmem>>
      %dma_start3A_183 = arith.constant 0 : i32
      %dma_start3A_184 = arith.constant 0 : i32
      %dma_start3A_185 = tpu.memref_slice %arg11[%dma_start3A_183, %dma_start3A_184] : memref<16x128xf32, #tpu.memory_space<vmem_shared>> -> memref<16x128xf32, #tpu.memory_space<vmem_shared>>
      tpu.enqueue_indirect_dma source(%dma_start3A_185 : memref<16x128xf32, #tpu.memory_space<vmem_shared>>) target(%arg16 : memref<80x128xf32, #tpu.memory_space<vmem>>) offsets(%dma_start3A_182 : memref<80xi32, #tpu.memory_space<vmem>>) semaphore(%arg21 : memref<!tpu.dma_semaphore, #tpu.memory_space<semaphore_mem>>)
      %dma_wait3A_186 = tpu.memref_slice %arg8[%multiple_of3A_181] : memref<10000xi32, #tpu.memory_space<vmem>> -> memref<80xi32, #tpu.memory_space<vmem>>
      %dma_wait3A_187 = arith.constant 0 : i32
      %dma_wait3A_188 = arith.constant 0 : i32
      %dma_wait3A_189 = tpu.memref_slice %arg11[%dma_wait3A_187, %dma_wait3A_188] : memref<16x128xf32, #tpu.memory_space<vmem_shared>> -> memref<16x128xf32, #tpu.memory_space<vmem_shared>>
      tpu.wait_indirect_dma semaphore(%arg21 : memref<!tpu.dma_semaphore, #tpu.memory_space<semaphore_mem>>) src(%dma_wait3A_189 : memref<16x128xf32, #tpu.memory_space<vmem_shared>>) dst(%arg16 : memref<80x128xf32, #tpu.memory_space<vmem>>)
      %mul3A_190 = arith.constant 10000 : i32
      %mul3A_191 = arith.muli %add3A, %mul3A_190 : i32
      %add3A_192 = arith.addi %mul3A_191, %multiple_of3A_181 : i32
      %multiple_of3A_193 = tpu.assume_multiple %add3A_192, 80 : i32
      %dma_start3A_194 = arith.constant 0 : i32
      %dma_start3A_195 = tpu.memref_slice %arg7[%multiple_of3A_193, %dma_start3A_194] : memref<320000x128xf32, #tpu.memory_space<hbm>> -> memref<80x128xf32, #tpu.memory_space<hbm>>
      %dma_start3A_196 = arith.constant 0 : i32
      %dma_start3A_197 = tpu.memref_slice %arg7[%multiple_of3A_193, %dma_start3A_196] : memref<320000x128xf32, #tpu.memory_space<hbm>> -> memref<80x128xf32, #tpu.memory_space<hbm>>
      tpu.enqueue_dma source(%arg16 : memref<80x128xf32, #tpu.memory_space<vmem>>) target(%dma_start3A_197 : memref<80x128xf32, #tpu.memory_space<hbm>>) target_semaphore(%arg22 : memref<!tpu.dma_semaphore, #tpu.memory_space<semaphore_mem>>)
      %dma_wait3A_198 = arith.constant 0 : i32
      %dma_wait3A_199 = tpu.memref_slice %arg7[%multiple_of3A_101, %dma_wait3A_198] : memref<320000x128xf32, #tpu.memory_space<hbm>> -> memref<80x128xf32, #tpu.memory_space<hbm>>
      %dma_wait3A_200 = arith.constant 0 : i32
      %dma_wait3A_201 = tpu.memref_slice %arg7[%multiple_of3A_101, %dma_wait3A_200] : memref<320000x128xf32, #tpu.memory_space<hbm>> -> memref<80x128xf32, #tpu.memory_space<hbm>>
      tpu.wait_dma2 semaphore(%arg22 : memref<!tpu.dma_semaphore, #tpu.memory_space<semaphore_mem>>) src(%arg12 : memref<80x128xf32, #tpu.memory_space<vmem>>) dst(%dma_wait3A_201 : memref<80x128xf32, #tpu.memory_space<hbm>>)
      %dma_wait3A_202 = arith.constant 0 : i32
      %dma_wait3A_203 = tpu.memref_slice %arg7[%multiple_of3A_124, %dma_wait3A_202] : memref<320000x128xf32, #tpu.memory_space<hbm>> -> memref<80x128xf32, #tpu.memory_space<hbm>>
      %dma_wait3A_204 = arith.constant 0 : i32
      %dma_wait3A_205 = tpu.memref_slice %arg7[%multiple_of3A_124, %dma_wait3A_204] : memref<320000x128xf32, #tpu.memory_space<hbm>> -> memref<80x128xf32, #tpu.memory_space<hbm>>
      tpu.wait_dma2 semaphore(%arg22 : memref<!tpu.dma_semaphore, #tpu.memory_space<semaphore_mem>>) src(%arg13 : memref<80x128xf32, #tpu.memory_space<vmem>>) dst(%dma_wait3A_205 : memref<80x128xf32, #tpu.memory_space<hbm>>)
      %dma_wait3A_206 = arith.constant 0 : i32
      %dma_wait3A_207 = tpu.memref_slice %arg7[%multiple_of3A_147, %dma_wait3A_206] : memref<320000x128xf32, #tpu.memory_space<hbm>> -> memref<80x128xf32, #tpu.memory_space<hbm>>
      %dma_wait3A_208 = arith.constant 0 : i32
      %dma_wait3A_209 = tpu.memref_slice %arg7[%multiple_of3A_147, %dma_wait3A_208] : memref<320000x128xf32, #tpu.memory_space<hbm>> -> memref<80x128xf32, #tpu.memory_space<hbm>>
      tpu.wait_dma2 semaphore(%arg22 : memref<!tpu.dma_semaphore, #tpu.memory_space<semaphore_mem>>) src(%arg14 : memref<80x128xf32, #tpu.memory_space<vmem>>) dst(%dma_wait3A_209 : memref<80x128xf32, #tpu.memory_space<hbm>>)
      %dma_wait3A_210 = arith.constant 0 : i32
      %dma_wait3A_211 = tpu.memref_slice %arg7[%multiple_of3A_170, %dma_wait3A_210] : memref<320000x128xf32, #tpu.memory_space<hbm>> -> memref<80x128xf32, #tpu.memory_space<hbm>>
      %dma_wait3A_212 = arith.constant 0 : i32
      %dma_wait3A_213 = tpu.memref_slice %arg7[%multiple_of3A_170, %dma_wait3A_212] : memref<320000x128xf32, #tpu.memory_space<hbm>> -> memref<80x128xf32, #tpu.memory_space<hbm>>
      tpu.wait_dma2 semaphore(%arg22 : memref<!tpu.dma_semaphore, #tpu.memory_space<semaphore_mem>>) src(%arg15 : memref<80x128xf32, #tpu.memory_space<vmem>>) dst(%dma_wait3A_213 : memref<80x128xf32, #tpu.memory_space<hbm>>)
      %dma_wait3A_214 = arith.constant 0 : i32
      %dma_wait3A_215 = tpu.memref_slice %arg7[%multiple_of3A_193, %dma_wait3A_214] : memref<320000x128xf32, #tpu.memory_space<hbm>> -> memref<80x128xf32, #tpu.memory_space<hbm>>
      %dma_wait3A_216 = arith.constant 0 : i32
      %dma_wait3A_217 = tpu.memref_slice %arg7[%multiple_of3A_193, %dma_wait3A_216] : memref<320000x128xf32, #tpu.memory_space<hbm>> -> memref<80x128xf32, #tpu.memory_space<hbm>>
      tpu.wait_dma2 semaphore(%arg22 : memref<!tpu.dma_semaphore, #tpu.memory_space<semaphore_mem>>) src(%arg16 : memref<80x128xf32, #tpu.memory_space<vmem>>) dst(%dma_wait3A_217 : memref<80x128xf32, #tpu.memory_space<hbm>>)
      %scan3A_218 = arith.constant 0 : i32
      scf.yield %scan3A_218 : i32
    }
    %scan3A_12 = arith.constant 25 : i32
    %multiple_of3A = arith.constant 0 : i32
    %multiple_of3A_13 = tpu.assume_multiple %multiple_of3A, 8 : i32
    %dma_start3A = tpu.memref_slice %arg9[%multiple_of3A_13] : memref<328xi32, #tpu.memory_space<vmem>> -> memref<104xi32, #tpu.memory_space<vmem>>
    %dma_start3A_14 = arith.constant 0 : i32
    %dma_start3A_15 = arith.constant 0 : i32
    %dma_start3A_16 = tpu.memref_slice %arg10[%dma_start3A_14, %dma_start3A_15] : memref<32x128xf32, #tpu.memory_space<vmem_shared>> -> memref<32x128xf32, #tpu.memory_space<vmem_shared>>
    tpu.enqueue_indirect_dma source(%dma_start3A_16 : memref<32x128xf32, #tpu.memory_space<vmem_shared>>) target(%arg17 : memref<104x128xf32, #tpu.memory_space<vmem>>) offsets(%dma_start3A : memref<104xi32, #tpu.memory_space<vmem>>) semaphore(%arg21 : memref<!tpu.dma_semaphore, #tpu.memory_space<semaphore_mem>>)
    %dma_wait3A = tpu.memref_slice %arg9[%multiple_of3A_13] : memref<328xi32, #tpu.memory_space<vmem>> -> memref<104xi32, #tpu.memory_space<vmem>>
    %dma_wait3A_17 = arith.constant 0 : i32
    %dma_wait3A_18 = arith.constant 0 : i32
    %dma_wait3A_19 = tpu.memref_slice %arg10[%dma_wait3A_17, %dma_wait3A_18] : memref<32x128xf32, #tpu.memory_space<vmem_shared>> -> memref<32x128xf32, #tpu.memory_space<vmem_shared>>
    tpu.wait_indirect_dma semaphore(%arg21 : memref<!tpu.dma_semaphore, #tpu.memory_space<semaphore_mem>>) src(%dma_wait3A_19 : memref<32x128xf32, #tpu.memory_space<vmem_shared>>) dst(%arg17 : memref<104x128xf32, #tpu.memory_space<vmem>>)
    %mul3A_20 = arith.constant 312 : i32
    %mul3A_21 = arith.muli %add3A, %mul3A_20 : i32
    %multiple_of3A_22 = tpu.assume_multiple %mul3A_21, 8 : i32
    %add3A_23 = arith.addi %multiple_of3A_22, %multiple_of3A_13 : i32
    %dma_start3A_24 = arith.constant 0 : i32
    %dma_start3A_25 = tpu.memref_slice %arg6[%add3A_23, %dma_start3A_24] : memref<10000x128xf32, #tpu.memory_space<hbm>> -> memref<104x128xf32, #tpu.memory_space<hbm>>
    %dma_start3A_26 = arith.constant 0 : i32
    %dma_start3A_27 = tpu.memref_slice %arg6[%add3A_23, %dma_start3A_26] : memref<10000x128xf32, #tpu.memory_space<hbm>> -> memref<104x128xf32, #tpu.memory_space<hbm>>
    tpu.enqueue_dma source(%arg17 : memref<104x128xf32, #tpu.memory_space<vmem>>) target(%dma_start3A_27 : memref<104x128xf32, #tpu.memory_space<hbm>>) target_semaphore(%arg22 : memref<!tpu.dma_semaphore, #tpu.memory_space<semaphore_mem>>)
    %multiple_of3A_28 = arith.constant 104 : i32
    %multiple_of3A_29 = tpu.assume_multiple %multiple_of3A_28, 8 : i32
    %dma_start3A_30 = tpu.memref_slice %arg9[%multiple_of3A_29] : memref<328xi32, #tpu.memory_space<vmem>> -> memref<104xi32, #tpu.memory_space<vmem>>
    %dma_start3A_31 = arith.constant 0 : i32
    %dma_start3A_32 = arith.constant 0 : i32
    %dma_start3A_33 = tpu.memref_slice %arg10[%dma_start3A_31, %dma_start3A_32] : memref<32x128xf32, #tpu.memory_space<vmem_shared>> -> memref<32x128xf32, #tpu.memory_space<vmem_shared>>
    tpu.enqueue_indirect_dma source(%dma_start3A_33 : memref<32x128xf32, #tpu.memory_space<vmem_shared>>) target(%arg18 : memref<104x128xf32, #tpu.memory_space<vmem>>) offsets(%dma_start3A_30 : memref<104xi32, #tpu.memory_space<vmem>>) semaphore(%arg21 : memref<!tpu.dma_semaphore, #tpu.memory_space<semaphore_mem>>)
    %dma_wait3A_34 = tpu.memref_slice %arg9[%multiple_of3A_29] : memref<328xi32, #tpu.memory_space<vmem>> -> memref<104xi32, #tpu.memory_space<vmem>>
    %dma_wait3A_35 = arith.constant 0 : i32
    %dma_wait3A_36 = arith.constant 0 : i32
    %dma_wait3A_37 = tpu.memref_slice %arg10[%dma_wait3A_35, %dma_wait3A_36] : memref<32x128xf32, #tpu.memory_space<vmem_shared>> -> memref<32x128xf32, #tpu.memory_space<vmem_shared>>
    tpu.wait_indirect_dma semaphore(%arg21 : memref<!tpu.dma_semaphore, #tpu.memory_space<semaphore_mem>>) src(%dma_wait3A_37 : memref<32x128xf32, #tpu.memory_space<vmem_shared>>) dst(%arg18 : memref<104x128xf32, #tpu.memory_space<vmem>>)
    %mul3A_38 = arith.constant 312 : i32
    %mul3A_39 = arith.muli %add3A, %mul3A_38 : i32
    %multiple_of3A_40 = tpu.assume_multiple %mul3A_39, 8 : i32
    %add3A_41 = arith.addi %multiple_of3A_40, %multiple_of3A_29 : i32
    %dma_start3A_42 = arith.constant 0 : i32
    %dma_start3A_43 = tpu.memref_slice %arg6[%add3A_41, %dma_start3A_42] : memref<10000x128xf32, #tpu.memory_space<hbm>> -> memref<104x128xf32, #tpu.memory_space<hbm>>
    %dma_start3A_44 = arith.constant 0 : i32
    %dma_start3A_45 = tpu.memref_slice %arg6[%add3A_41, %dma_start3A_44] : memref<10000x128xf32, #tpu.memory_space<hbm>> -> memref<104x128xf32, #tpu.memory_space<hbm>>
    tpu.enqueue_dma source(%arg18 : memref<104x128xf32, #tpu.memory_space<vmem>>) target(%dma_start3A_45 : memref<104x128xf32, #tpu.memory_space<hbm>>) target_semaphore(%arg22 : memref<!tpu.dma_semaphore, #tpu.memory_space<semaphore_mem>>)
    %multiple_of3A_46 = arith.constant 208 : i32
    %multiple_of3A_47 = tpu.assume_multiple %multiple_of3A_46, 8 : i32
    %dma_start3A_48 = tpu.memref_slice %arg9[%multiple_of3A_47] : memref<328xi32, #tpu.memory_space<vmem>> -> memref<104xi32, #tpu.memory_space<vmem>>
    %dma_start3A_49 = arith.constant 0 : i32
    %dma_start3A_50 = arith.constant 0 : i32
    %dma_start3A_51 = tpu.memref_slice %arg10[%dma_start3A_49, %dma_start3A_50] : memref<32x128xf32, #tpu.memory_space<vmem_shared>> -> memref<32x128xf32, #tpu.memory_space<vmem_shared>>
    tpu.enqueue_indirect_dma source(%dma_start3A_51 : memref<32x128xf32, #tpu.memory_space<vmem_shared>>) target(%arg19 : memref<104x128xf32, #tpu.memory_space<vmem>>) offsets(%dma_start3A_48 : memref<104xi32, #tpu.memory_space<vmem>>) semaphore(%arg21 : memref<!tpu.dma_semaphore, #tpu.memory_space<semaphore_mem>>)
    %dma_wait3A_52 = tpu.memref_slice %arg9[%multiple_of3A_47] : memref<328xi32, #tpu.memory_space<vmem>> -> memref<104xi32, #tpu.memory_space<vmem>>
    %dma_wait3A_53 = arith.constant 0 : i32
    %dma_wait3A_54 = arith.constant 0 : i32
    %dma_wait3A_55 = tpu.memref_slice %arg10[%dma_wait3A_53, %dma_wait3A_54] : memref<32x128xf32, #tpu.memory_space<vmem_shared>> -> memref<32x128xf32, #tpu.memory_space<vmem_shared>>
    tpu.wait_indirect_dma semaphore(%arg21 : memref<!tpu.dma_semaphore, #tpu.memory_space<semaphore_mem>>) src(%dma_wait3A_55 : memref<32x128xf32, #tpu.memory_space<vmem_shared>>) dst(%arg19 : memref<104x128xf32, #tpu.memory_space<vmem>>)
    %mul3A_56 = arith.constant 312 : i32
    %mul3A_57 = arith.muli %add3A, %mul3A_56 : i32
    %multiple_of3A_58 = tpu.assume_multiple %mul3A_57, 8 : i32
    %add3A_59 = arith.addi %multiple_of3A_58, %multiple_of3A_47 : i32
    %dma_start3A_60 = arith.constant 0 : i32
    %dma_start3A_61 = tpu.memref_slice %arg6[%add3A_59, %dma_start3A_60] : memref<10000x128xf32, #tpu.memory_space<hbm>> -> memref<104x128xf32, #tpu.memory_space<hbm>>
    %dma_start3A_62 = arith.constant 0 : i32
    %dma_start3A_63 = tpu.memref_slice %arg6[%add3A_59, %dma_start3A_62] : memref<10000x128xf32, #tpu.memory_space<hbm>> -> memref<104x128xf32, #tpu.memory_space<hbm>>
    tpu.enqueue_dma source(%arg19 : memref<104x128xf32, #tpu.memory_space<vmem>>) target(%dma_start3A_63 : memref<104x128xf32, #tpu.memory_space<hbm>>) target_semaphore(%arg22 : memref<!tpu.dma_semaphore, #tpu.memory_space<semaphore_mem>>)
    %eq3A_64 = arith.constant 31 : i32
    %eq3A_65 = arith.cmpi eq, %add3A, %eq3A_64 : i32
    %convert_element_type3A_66 = arith.extui %eq3A_65 : i1 to i32
    %cond3A_67 = arith.constant 0 : i32
    %cond3A_68 = arith.cmpi ne, %convert_element_type3A_66, %cond3A_67 : i32
    scf.if %cond3A_68 {
      "tpu.region"() ({
        %run_scoped3A = tpu.sem_alloc : memref<!tpu.dma_semaphore, #tpu.memory_space<semaphore_mem>>
        %dma_start3A_103 = arith.constant 312 : i32
        %dma_start3A_104 = tpu.memref_slice %arg9[%dma_start3A_103] : memref<328xi32, #tpu.memory_space<vmem>> -> memref<16xi32, #tpu.memory_space<vmem>>
        %dma_start3A_105 = arith.constant 9984 : i32
        %dma_start3A_106 = tpu.memref_slice %arg2[%dma_start3A_105] : memref<10000xi32, #tpu.memory_space<hbm>> -> memref<16xi32, #tpu.memory_space<hbm>>
        %dma_start3A_107 = arith.constant 312 : i32
        %dma_start3A_108 = tpu.memref_slice %arg9[%dma_start3A_107] : memref<328xi32, #tpu.memory_space<vmem>> -> memref<16xi32, #tpu.memory_space<vmem>>
        %dma_start3A_109 = arith.constant 9984 : i32
        %dma_start3A_110 = tpu.memref_slice %arg2[%dma_start3A_109] : memref<10000xi32, #tpu.memory_space<hbm>> -> memref<16xi32, #tpu.memory_space<hbm>>
        tpu.enqueue_dma source(%dma_start3A_110 : memref<16xi32, #tpu.memory_space<hbm>>) target(%dma_start3A_108 : memref<16xi32, #tpu.memory_space<vmem>>) target_semaphore(%run_scoped3A : memref<!tpu.dma_semaphore, #tpu.memory_space<semaphore_mem>>)
        %dma_wait3A_111 = arith.constant 312 : i32
        %dma_wait3A_112 = tpu.memref_slice %arg9[%dma_wait3A_111] : memref<328xi32, #tpu.memory_space<vmem>> -> memref<16xi32, #tpu.memory_space<vmem>>
        %dma_wait3A_113 = arith.constant 9984 : i32
        %dma_wait3A_114 = tpu.memref_slice %arg2[%dma_wait3A_113] : memref<10000xi32, #tpu.memory_space<hbm>> -> memref<16xi32, #tpu.memory_space<hbm>>
        %dma_wait3A_115 = arith.constant 312 : i32
        %dma_wait3A_116 = tpu.memref_slice %arg9[%dma_wait3A_115] : memref<328xi32, #tpu.memory_space<vmem>> -> memref<16xi32, #tpu.memory_space<vmem>>
        %dma_wait3A_117 = arith.constant 9984 : i32
        %dma_wait3A_118 = tpu.memref_slice %arg2[%dma_wait3A_117] : memref<10000xi32, #tpu.memory_space<hbm>> -> memref<16xi32, #tpu.memory_space<hbm>>
        tpu.wait_dma2 semaphore(%run_scoped3A : memref<!tpu.dma_semaphore, #tpu.memory_space<semaphore_mem>>) src(%dma_wait3A_118 : memref<16xi32, #tpu.memory_space<hbm>>) dst(%dma_wait3A_116 : memref<16xi32, #tpu.memory_space<vmem>>)
        tpu.yield
      }) : () -> ()
      %dma_start3A_81 = arith.constant 312 : i32
      %dma_start3A_82 = tpu.memref_slice %arg9[%dma_start3A_81] : memref<328xi32, #tpu.memory_space<vmem>> -> memref<16xi32, #tpu.memory_space<vmem>>
      %dma_start3A_83 = arith.constant 0 : i32
      %dma_start3A_84 = arith.constant 0 : i32
      %dma_start3A_85 = tpu.memref_slice %arg10[%dma_start3A_83, %dma_start3A_84] : memref<32x128xf32, #tpu.memory_space<vmem_shared>> -> memref<32x128xf32, #tpu.memory_space<vmem_shared>>
      tpu.enqueue_indirect_dma source(%dma_start3A_85 : memref<32x128xf32, #tpu.memory_space<vmem_shared>>) target(%arg20 : memref<16x128xf32, #tpu.memory_space<vmem>>) offsets(%dma_start3A_82 : memref<16xi32, #tpu.memory_space<vmem>>) semaphore(%arg21 : memref<!tpu.dma_semaphore, #tpu.memory_space<semaphore_mem>>)
      %dma_wait3A_86 = arith.constant 312 : i32
      %dma_wait3A_87 = tpu.memref_slice %arg9[%dma_wait3A_86] : memref<328xi32, #tpu.memory_space<vmem>> -> memref<16xi32, #tpu.memory_space<vmem>>
      %dma_wait3A_88 = arith.constant 0 : i32
      %dma_wait3A_89 = arith.constant 0 : i32
      %dma_wait3A_90 = tpu.memref_slice %arg10[%dma_wait3A_88, %dma_wait3A_89] : memref<32x128xf32, #tpu.memory_space<vmem_shared>> -> memref<32x128xf32, #tpu.memory_space<vmem_shared>>
      tpu.wait_indirect_dma semaphore(%arg21 : memref<!tpu.dma_semaphore, #tpu.memory_space<semaphore_mem>>) src(%dma_wait3A_90 : memref<32x128xf32, #tpu.memory_space<vmem_shared>>) dst(%arg20 : memref<16x128xf32, #tpu.memory_space<vmem>>)
      %dma_start3A_91 = arith.constant 9984 : i32
      %dma_start3A_92 = arith.constant 0 : i32
      %dma_start3A_93 = tpu.memref_slice %arg6[%dma_start3A_91, %dma_start3A_92] : memref<10000x128xf32, #tpu.memory_space<hbm>> -> memref<16x128xf32, #tpu.memory_space<hbm>>
      %dma_start3A_94 = arith.constant 9984 : i32
      %dma_start3A_95 = arith.constant 0 : i32
      %dma_start3A_96 = tpu.memref_slice %arg6[%dma_start3A_94, %dma_start3A_95] : memref<10000x128xf32, #tpu.memory_space<hbm>> -> memref<16x128xf32, #tpu.memory_space<hbm>>
      tpu.enqueue_dma source(%arg20 : memref<16x128xf32, #tpu.memory_space<vmem>>) target(%dma_start3A_96 : memref<16x128xf32, #tpu.memory_space<hbm>>) target_semaphore(%arg22 : memref<!tpu.dma_semaphore, #tpu.memory_space<semaphore_mem>>)
      %dma_wait3A_97 = arith.constant 9984 : i32
      %dma_wait3A_98 = arith.constant 0 : i32
      %dma_wait3A_99 = tpu.memref_slice %arg6[%dma_wait3A_97, %dma_wait3A_98] : memref<10000x128xf32, #tpu.memory_space<hbm>> -> memref<16x128xf32, #tpu.memory_space<hbm>>
      %dma_wait3A_100 = arith.constant 9984 : i32
      %dma_wait3A_101 = arith.constant 0 : i32
      %dma_wait3A_102 = tpu.memref_slice %arg6[%dma_wait3A_100, %dma_wait3A_101] : memref<10000x128xf32, #tpu.memory_space<hbm>> -> memref<16x128xf32, #tpu.memory_space<hbm>>
      tpu.wait_dma2 semaphore(%arg22 : memref<!tpu.dma_semaphore, #tpu.memory_space<semaphore_mem>>) src(%arg20 : memref<16x128xf32, #tpu.memory_space<vmem>>) dst(%dma_wait3A_102 : memref<16x128xf32, #tpu.memory_space<hbm>>)
    } else {
    }
    %dma_wait3A_69 = arith.constant 0 : i32
    %dma_wait3A_70 = tpu.memref_slice %arg6[%add3A_23, %dma_wait3A_69] : memref<10000x128xf32, #tpu.memory_space<hbm>> -> memref<104x128xf32, #tpu.memory_space<hbm>>
    %dma_wait3A_71 = arith.constant 0 : i32
    %dma_wait3A_72 = tpu.memref_slice %arg6[%add3A_23, %dma_wait3A_71] : memref<10000x128xf32, #tpu.memory_space<hbm>> -> memref<104x128xf32, #tpu.memory_space<hbm>>
    tpu.wait_dma2 semaphore(%arg22 : memref<!tpu.dma_semaphore, #tpu.memory_space<semaphore_mem>>) src(%arg17 : memref<104x128xf32, #tpu.memory_space<vmem>>) dst(%dma_wait3A_72 : memref<104x128xf32, #tpu.memory_space<hbm>>)
    %dma_wait3A_73 = arith.constant 0 : i32
    %dma_wait3A_74 = tpu.memref_slice %arg6[%add3A_41, %dma_wait3A_73] : memref<10000x128xf32, #tpu.memory_space<hbm>> -> memref<104x128xf32, #tpu.memory_space<hbm>>
    %dma_wait3A_75 = arith.constant 0 : i32
    %dma_wait3A_76 = tpu.memref_slice %arg6[%add3A_41, %dma_wait3A_75] : memref<10000x128xf32, #tpu.memory_space<hbm>> -> memref<104x128xf32, #tpu.memory_space<hbm>>
    tpu.wait_dma2 semaphore(%arg22 : memref<!tpu.dma_semaphore, #tpu.memory_space<semaphore_mem>>) src(%arg18 : memref<104x128xf32, #tpu.memory_space<vmem>>) dst(%dma_wait3A_76 : memref<104x128xf32, #tpu.memory_space<hbm>>)
    %dma_wait3A_77 = arith.constant 0 : i32
    %dma_wait3A_78 = tpu.memref_slice %arg6[%add3A_59, %dma_wait3A_77] : memref<10000x128xf32, #tpu.memory_space<hbm>> -> memref<104x128xf32, #tpu.memory_space<hbm>>
    %dma_wait3A_79 = arith.constant 0 : i32
    %dma_wait3A_80 = tpu.memref_slice %arg6[%add3A_59, %dma_wait3A_79] : memref<10000x128xf32, #tpu.memory_space<hbm>> -> memref<104x128xf32, #tpu.memory_space<hbm>>
    tpu.wait_dma2 semaphore(%arg22 : memref<!tpu.dma_semaphore, #tpu.memory_space<semaphore_mem>>) src(%arg19 : memref<104x128xf32, #tpu.memory_space<vmem>>) dst(%dma_wait3A_80 : memref<104x128xf32, #tpu.memory_space<hbm>>)
    return
  }
}

module attributes {stable_mosaic.version = 14 : i64} {
  func.func @_tc_body(%arg0: i32, %arg1: memref<320000xi32, #tpu.memory_space<vmem>>, %arg2: memref<16x128xf32, #tpu.memory_space<vmem>>, %arg3: memref<12800x128xf32, #tpu.memory_space<vmem>>, %arg4: memref<32x256xbf16, #tpu.memory_space<vmem>>, %arg5: memref<32x256xbf16, #tpu.memory_space<vmem>>) attributes {dimension_semantics = [#tpu.dimension_semantics<arbitrary>], iteration_bounds = array<i64: 25>, scalar_prefetch = 0 : i64, scratch_operands = 2 : i64, tpu.core_type = #tpu.core_type<tc>, window_params = [{pipeline_mode = #tpu.pipeline_mode<synchronous>, transform_indices = @transform_0, window_bounds = array<i64: 320000>}, {pipeline_mode = #tpu.pipeline_mode<synchronous>, transform_indices = @transform_1, window_bounds = array<i64: 16, 128>}, {transform_indices = @transform_2, window_bounds = array<i64: 12800, 128>}]} {
    %eq3A = arith.constant 0 : i32
    %eq3A_0 = arith.cmpi eq, %arg0, %eq3A : i32
    %convert_element_type3A = arith.extui %eq3A_0 : i1 to i32
    %cond3A = arith.constant 0 : i32
    %cond3A_1 = arith.cmpi ne, %convert_element_type3A, %cond3A : i32
    scf.if %cond3A_1 {
      %get3A_36 = arith.constant 0 : index
      %get3A_37 = arith.constant 0 : index
      %get3A_38 = vector.load %arg2[%get3A_36, %get3A_37] : memref<16x128xf32, #tpu.memory_space<vmem>>, vector<16x128xf32>
      %convert_element_type3A_39 = arith.truncf %get3A_38 : vector<16x128xf32> to vector<16x128xbf16>
      %convert_element_type3A_40 = arith.extf %convert_element_type3A_39 : vector<16x128xbf16> to vector<16x128xf32>
      %sub3A = arith.subf %get3A_38, %convert_element_type3A_40 : vector<16x128xf32>
      %convert_element_type3A_41 = arith.truncf %sub3A : vector<16x128xf32> to vector<16x128xbf16>
      %broadcast_in_dim3A_42 = arith.constant 0.000000e+00 : bf16
      %broadcast_in_dim3A_43 = vector.broadcast %broadcast_in_dim3A_42 : bf16 to vector<16x128xbf16>
      %swap3A_44 = arith.constant 0 : index
      %swap3A_45 = arith.constant 0 : index
      %swap3A_46 = vector.load %arg4[%swap3A_44, %swap3A_45] : memref<32x256xbf16, #tpu.memory_space<vmem>>, vector<16x128xbf16>
      tpu.vector_store %arg4[%swap3A_44, %swap3A_45], %convert_element_type3A_39 {strides = array<i32>} : memref<32x256xbf16, #tpu.memory_space<vmem>>, vector<16x128xbf16>,
      %swap3A_47 = arith.constant 0 : index
      %swap3A_48 = arith.constant 128 : index
      %swap3A_49 = vector.load %arg4[%swap3A_47, %swap3A_48] : memref<32x256xbf16, #tpu.memory_space<vmem>>, vector<16x128xbf16>
      tpu.vector_store %arg4[%swap3A_47, %swap3A_48], %broadcast_in_dim3A_43 {strides = array<i32>} : memref<32x256xbf16, #tpu.memory_space<vmem>>, vector<16x128xbf16>,
      %swap3A_50 = arith.constant 16 : index
      %swap3A_51 = arith.constant 0 : index
      %swap3A_52 = vector.load %arg4[%swap3A_50, %swap3A_51] : memref<32x256xbf16, #tpu.memory_space<vmem>>, vector<16x128xbf16>
      tpu.vector_store %arg4[%swap3A_50, %swap3A_51], %broadcast_in_dim3A_43 {strides = array<i32>} : memref<32x256xbf16, #tpu.memory_space<vmem>>, vector<16x128xbf16>,
      %swap3A_53 = arith.constant 16 : index
      %swap3A_54 = arith.constant 128 : index
      %swap3A_55 = vector.load %arg4[%swap3A_53, %swap3A_54] : memref<32x256xbf16, #tpu.memory_space<vmem>>, vector<16x128xbf16>
      tpu.vector_store %arg4[%swap3A_53, %swap3A_54], %convert_element_type3A_39 {strides = array<i32>} : memref<32x256xbf16, #tpu.memory_space<vmem>>, vector<16x128xbf16>,
      %swap3A_56 = arith.constant 0 : index
      %swap3A_57 = arith.constant 0 : index
      %swap3A_58 = vector.load %arg5[%swap3A_56, %swap3A_57] : memref<32x256xbf16, #tpu.memory_space<vmem>>, vector<16x128xbf16>
      tpu.vector_store %arg5[%swap3A_56, %swap3A_57], %convert_element_type3A_41 {strides = array<i32>} : memref<32x256xbf16, #tpu.memory_space<vmem>>, vector<16x128xbf16>,
      %swap3A_59 = arith.constant 0 : index
      %swap3A_60 = arith.constant 128 : index
      %swap3A_61 = vector.load %arg5[%swap3A_59, %swap3A_60] : memref<32x256xbf16, #tpu.memory_space<vmem>>, vector<16x128xbf16>
      tpu.vector_store %arg5[%swap3A_59, %swap3A_60], %broadcast_in_dim3A_43 {strides = array<i32>} : memref<32x256xbf16, #tpu.memory_space<vmem>>, vector<16x128xbf16>,
      %swap3A_62 = arith.constant 16 : index
      %swap3A_63 = arith.constant 0 : index
      %swap3A_64 = vector.load %arg5[%swap3A_62, %swap3A_63] : memref<32x256xbf16, #tpu.memory_space<vmem>>, vector<16x128xbf16>
      tpu.vector_store %arg5[%swap3A_62, %swap3A_63], %broadcast_in_dim3A_43 {strides = array<i32>} : memref<32x256xbf16, #tpu.memory_space<vmem>>, vector<16x128xbf16>,
      %swap3A_65 = arith.constant 16 : index
      %swap3A_66 = arith.constant 128 : index
      %swap3A_67 = vector.load %arg5[%swap3A_65, %swap3A_66] : memref<32x256xbf16, #tpu.memory_space<vmem>>, vector<16x128xbf16>
      tpu.vector_store %arg5[%swap3A_65, %swap3A_66], %convert_element_type3A_41 {strides = array<i32>} : memref<32x256xbf16, #tpu.memory_space<vmem>>, vector<16x128xbf16>,
    } else {
    }
    %mul3A = arith.constant 2 : i32
    %mul3A_2 = arith.muli %arg0, %mul3A : i32
    %mul3A_3 = arith.constant 6400 : i32
    %mul3A_4 = arith.muli %mul3A_2, %mul3A_3 : i32
    %get3A = arith.index_cast %mul3A_4 : i32 to index
    %get3A_5 = vector.load %arg1[%get3A] : memref<320000xi32, #tpu.memory_space<vmem>>, vector<12800xi32>
    %iota3A = tpu.iota {dimensions = array<i32: 1>} : vector<6400x32xi32>
    %lt3A = arith.constant 16 : i32
    %lt3A_6 = vector.broadcast %lt3A : i32 to vector<6400x32xi32>
    %lt3A_7 = arith.cmpi slt, %iota3A, %lt3A_6 : vector<6400x32xi32>
    %slice3A = vector.extract_strided_slice %get3A_5 {offsets = [0], sizes = [6400], strides = [1]} : vector<12800xi32> to vector<6400xi32>
    %broadcast_in_dim3A = vector.shape_cast %slice3A : vector<6400xi32> to vector<6400x1xi32>
    %slice3A_8 = vector.extract_strided_slice %get3A_5 {offsets = [6400], sizes = [6400], strides = [1]} : vector<12800xi32> to vector<6400xi32>
    %broadcast_in_dim3A_9 = vector.shape_cast %slice3A_8 : vector<6400xi32> to vector<6400x1xi32>
    %broadcast_in_dim3A_10 = vector.shape_cast %broadcast_in_dim3A : vector<6400x1xi32> to vector<6400x1xi32>
    %broadcast_in_dim3A_11 = vector.broadcast %broadcast_in_dim3A_10 : vector<6400x1xi32> to vector<6400x32xi32>
    %broadcast_in_dim3A_12 = vector.shape_cast %broadcast_in_dim3A_9 : vector<6400x1xi32> to vector<6400x1xi32>
    %broadcast_in_dim3A_13 = vector.broadcast %broadcast_in_dim3A_12 : vector<6400x1xi32> to vector<6400x32xi32>
    %select_n3A = arith.select %lt3A_7, %broadcast_in_dim3A_11, %broadcast_in_dim3A_13 : vector<6400x32xi1>, vector<6400x32xi32>
    %and3A = arith.constant 15 : i32
    %and3A_14 = vector.broadcast %and3A : i32 to vector<6400x32xi32>
    %and3A_15 = arith.andi %iota3A, %and3A_14 : vector<6400x32xi32>
    %eq3A_16 = arith.cmpi eq, %select_n3A, %and3A_15 : vector<6400x32xi32>
    %convert_element_type3A_17 = arith.extui %eq3A_16 : vector<6400x32xi1> to vector<6400x32xi32>
    %convert_element_type3A_18 = arith.sitofp %convert_element_type3A_17 : vector<6400x32xi32> to vector<6400x32xf32>
    %convert_element_type3A_19 = arith.truncf %convert_element_type3A_18 : vector<6400x32xf32> to vector<6400x32xbf16>
    %get3A_20 = arith.constant 0 : index
    %get3A_21 = arith.constant 0 : index
    %get3A_22 = vector.load %arg4[%get3A_20, %get3A_21] : memref<32x256xbf16, #tpu.memory_space<vmem>>, vector<32x256xbf16>
    %dot_general3A = arith.constant dense<0.000000e+00> : vector<6400x256xf32>
    %dot_general3A_23 = tpu.matmul %convert_element_type3A_19, %get3A_22, %dot_general3A {dimension_numbers = #tpu.dot_dimension_numbers<[1], [0], [0], [1], [0, 0, 1, 1], [], []>, transpose_lhs_hint = false} : vector<6400x32xbf16>, vector<32x256xbf16>, vector<6400x256xf32> -> vector<6400x256xf32>
    %get3A_24 = arith.constant 0 : index
    %get3A_25 = arith.constant 0 : index
    %get3A_26 = vector.load %arg5[%get3A_24, %get3A_25] : memref<32x256xbf16, #tpu.memory_space<vmem>>, vector<32x256xbf16>
    %dot_general3A_27 = arith.constant dense<0.000000e+00> : vector<6400x256xf32>
    %dot_general3A_28 = tpu.matmul %convert_element_type3A_19, %get3A_26, %dot_general3A_27 {dimension_numbers = #tpu.dot_dimension_numbers<[1], [0], [0], [1], [0, 0, 1, 1], [], []>, transpose_lhs_hint = false} : vector<6400x32xbf16>, vector<32x256xbf16>, vector<6400x256xf32> -> vector<6400x256xf32>
    %add3A = arith.addf %dot_general3A_23, %dot_general3A_28 : vector<6400x256xf32>
    %slice3A_29 = vector.extract_strided_slice %add3A {offsets = [0, 0], sizes = [6400, 128], strides = [1, 1]} : vector<6400x256xf32> to vector<6400x128xf32>
    %swap3A = arith.constant 0 : index
    %swap3A_30 = arith.constant 0 : index
    %swap3A_31 = vector.load %arg3[%swap3A, %swap3A_30] : memref<12800x128xf32, #tpu.memory_space<vmem>>, vector<6400x128xf32>
    tpu.vector_store %arg3[%swap3A, %swap3A_30], %slice3A_29 {strides = array<i32>} : memref<12800x128xf32, #tpu.memory_space<vmem>>, vector<6400x128xf32>,
    %slice3A_32 = vector.extract_strided_slice %add3A {offsets = [0, 128], sizes = [6400, 128], strides = [1, 1]} : vector<6400x256xf32> to vector<6400x128xf32>
    %swap3A_33 = arith.constant 6400 : index
    %swap3A_34 = arith.constant 0 : index
    %swap3A_35 = vector.load %arg3[%swap3A_33, %swap3A_34] : memref<12800x128xf32, #tpu.memory_space<vmem>>, vector<6400x128xf32>
    tpu.vector_store %arg3[%swap3A_33, %swap3A_34], %slice3A_32 {strides = array<i32>} : memref<12800x128xf32, #tpu.memory_space<vmem>>, vector<6400x128xf32>,
    return
  }
  func.func @transform_0(%arg0: i32) -> i32 {
    %c0_i32 = arith.constant 0 : i32
    %c0_i32_0 = arith.constant 0 : i32
    return %c0_i32 : i32
  }
  func.func @transform_1(%arg0: i32) -> (i32, i32) {
    %c0_i32 = arith.constant 0 : i32
    %c0_i32_0 = arith.constant 0 : i32
    %c0_i32_1 = arith.constant 0 : i32
    return %c0_i32, %c0_i32_0 : i32, i32
  }
  func.func @transform_2(%arg0: i32) -> (i32, i32) {
    %c0_i32 = arith.constant 0 : i32
    %c0_i32_0 = arith.constant 0 : i32
    return %arg0, %c0_i32 : i32, i32
  }
}

</mosaic_0001>

<sc_bundles>
// kernel: _encode.4.cloned.1.call-start
scs
__scs_entry_jumppad:
0x0: {  	(pc) =	sbr.rel $0x88, $3  }
0x1: {  	(tag) =	ssettag $0x0;
	lr =	simm.s32 $0x1  }
0x2: {  	[smem:$0x3F9B] =	sst lr;
	_ =	strace $0xD0000000  }
0x3: {  	_ = 	snop  }
0x4: {  	_ = 	snop  }
0x5: {  	_ = 	snop  }
0x6: {  	_ = 	snop  }
0x7: {  	_ = 	snop  }
__scs_overlays_trampoline_lowered:
0x8: {  	[smem:$0x3FAA] =	sst s0  }
0x9: {  	[smem:$0x3FAB] =	sst s1  }
0xa: {  	[smem:$0x3FAC] =	sst s2  }
0xb: {  	[smem:$0x3FAD] =	sst s3  }
0xc: {  	[smem:$0x3FAE] =	sst s4  }
0xd: {  	[smem:$0x3FAF] =	sst s5  }
0xe: {  	[smem:$0x3FB0] =	sst s6  }
0xf: {  	[smem:$0x3FB1] =	sst s7  }
0x10: {  	[smem:$0x3FB2] =	sst s8  }
0x11: {  	[smem:$0x3FB3] =	sst s9;
	s0 =	simm.s32 @!p0 $0x0  }
0x12: {  	s1 =	sld [smem:$0x3F99];
	s0 =	simm.s32 @p0 $0x1  }
0x13: {  	[smem:$0x3FB4] =	sst s0;
	s0 =	simm.s32 @!p1 $0x0  }
0x14: {  	s2 =	sld [smem:$0x3F98];
	s0 =	simm.s32 @p1 $0x1  }
0x15: {  	[smem:$0x3FB5] =	sst s0;
	s0 =	simm.s32 @!p2 $0x0  }
0x16: {  	s3 =	sld [smem:$0x3FDB];
	s0 =	simm.s32 @p2 $0x1  }
0x17: {  	s4 =	simm.s32 $0x1BF5;
	[smem:$0x3FB7] =	sst s0  }
0x18: {  	s0 =	sld [smem:$0x3F9A];
	_ =	swait.ge [sflag:s4], $0x0  }
0x19: {  	s7 =	sld [smem:$0x3F9B]  }
0x1a: {  	s8 =	sadd.s32 $0xFFFFE003, lr  }
0x1b: {  	s9 =	sadd.s32 $0xFFFFFEF7, lr;
	s5 =	simm.s32 $0xFFFFFFFF;
	p2 =	slt.u32 s8, $0xFFFFF086  }
0x1c: {  	p1 =	slt.u32 s9, $0xF7A;
	s5 =	simm.s32 @!p2 $0x0  }
0x1d: {  	s5 =	simm.s32 @p1 $0x1;
	p0 =	seq.s32 s7, s2  }
0x1e: {  	s7 =	smul.u32 @!p0 $0xF7A, s2;
	p2 =	seq.s32 @!p0 s5, $0x0  }
0x1f: {  	s9 =	smul.u32 $0xF7A, s1;
	s8 =	simm.s32 @!p0 $0x1BF5;
	p2 =	por !p2, p0  }
0x20: {  	[sflag:s8] =	ssyncset.s32 @!p0 $0xFFFFF086;
	s6 =	sadd.s32 @!p0 s3, s7;
	s7 =	simm.s32 @!p0 $0x108  }
0x21: {  	s3 =	sadd.s32 s3, s9;
	s6 =	sadd.s32 @!p0 $0x88, s6;
	s7 =	simm.s32 @p2 $0x1082  }
0x22: {  	[simem:s7], [sflag:s8] =	dma.local @!p0 [hbm:s6], $0xF7A  }
0x23: {  	s9 =	sor.u32 $0xD0000000, s2;
	s6 =	simm.s32 $0x108;
	_ =	swait.ge @!p0 [sflag:s8], $0x0  }
0x24: {  	s3 =	sadd.s32 $0x88, s3;
	s6 =	simm.s32 @!p1 $0x1082;
	[sflag:s4] =	ssyncset.s32 $0xFFFFF086  }
0x25: {  	[simem:s6], [sflag:s4] =	dma.local [hbm:s3], $0xF7A  }
0x26: {  	[smem:$0x3F9B] =	sst s1;
	(tag) =	ssettag s2;
	_ =	strace s9  }
0x27: {  	s1 =	sld [smem:$0x3FAB]  }
0x28: {  	s2 =	sld [smem:$0x3FAC]  }
0x29: {  	s4 =	sld [smem:$0x3FAE]  }
0x2a: {  	p0 =	seq.s32 s5, $0x0;
	s5 =	sld [smem:$0x3FAF]  }
0x2b: {  	s6 =	sld [smem:$0x3FB0]  }
0x2c: {  	s7 =	sld [smem:$0x3FB1]  }
0x2d: {  	s3 =	simm.s32 $0x108;
	s8 =	sld [smem:$0x3FB2]  }
0x2e: {  	s3 =	simm.s32 @!p0 $0x1082;
	s9 =	sld [smem:$0x3FB3]  }
0x2f: {  	lr =	sadd.s32 s0, s3;
	s0 =	sld [smem:$0x3FAA]  }
0x30: {  	s3 =	sld [smem:$0x3FAD]  }
0x31: {  	[smem:$0x3FB6] =	sst s10  }
0x32: {  	s10 =	sld [smem:$0x3FB4];
	_ =	sdelay $0x3  }
0x33: {  	p0 =	seq.s32 s10, $0x1;
	s10 =	sld [smem:$0x3FB6];
	_ =	sdelay $0x3  }
0x34: {  	[smem:$0x3FB6] =	sst s10  }
0x35: {  	s10 =	sld [smem:$0x3FB5];
	_ =	sdelay $0x3  }
0x36: {  	p1 =	seq.s32 s10, $0x1;
	s10 =	sld [smem:$0x3FB6];
	_ =	sdelay $0x3  }
0x37: {  	[smem:$0x3FB6] =	sst s10  }
0x38: {  	s10 =	sld [smem:$0x3FB7]  }
0x39: {  	_ = 	snop;
	(pc) =	sbr.ind lr, $3  }
0x3a: {  	_ = 	snop  }
0x3b: {  	_ = 	snop  }
0x3c: {  	p2 =	seq.s32 s10, $0x1;
	s10 =	sld [smem:$0x3FB6]  }
0x3d: {  	_ =	shalt  }
0x3e: {  	_ =	shalt  }
0x3f: {  	_ =	shalt  }
0x40: {  	_ =	shalt  }
0x41: {  	_ =	shalt  }
0x42: {  	_ =	shalt  }
0x43: {  	_ =	shalt  }
0x44: {  	_ =	shalt  }
0x45: {  	_ =	shalt  }
0x46: {  	_ =	shalt  }
0x47: {  	_ =	shalt  }
0x48: {  	_ =	shalt  }
0x49: {  	_ =	shalt  }
0x4a: {  	_ =	shalt  }
0x4b: {  	_ =	shalt  }
0x4c: {  	_ =	shalt  }
0x4d: {  	_ =	shalt  }
0x4e: {  	_ =	shalt  }
0x4f: {  	_ =	shalt  }
0x50: {  	_ =	shalt  }
0x51: {  	_ =	shalt  }
0x52: {  	_ =	shalt  }
0x53: {  	_ =	shalt  }
0x54: {  	_ =	shalt  }
0x55: {  	_ =	shalt  }
0x56: {  	_ =	shalt  }
0x57: {  	_ =	shalt  }
0x58: {  	_ =	shalt  }
0x59: {  	_ =	shalt  }
0x5a: {  	_ =	shalt  }
0x5b: {  	_ =	shalt  }
0x5c: {  	_ =	shalt  }
0x5d: {  	_ =	shalt  }
0x5e: {  	_ =	shalt  }
0x5f: {  	_ =	shalt  }
0x60: {  	_ =	shalt  }
0x61: {  	_ =	shalt  }
0x62: {  	_ =	shalt  }
0x63: {  	_ =	shalt  }
0x64: {  	_ =	shalt  }
0x65: {  	_ =	shalt  }
0x66: {  	_ =	shalt  }
0x67: {  	_ =	shalt  }
0x68: {  	_ =	shalt  }
0x69: {  	_ =	shalt  }
0x6a: {  	_ =	shalt  }
0x6b: {  	_ =	shalt  }
0x6c: {  	_ =	shalt  }
0x6d: {  	_ =	shalt  }
0x6e: {  	_ =	shalt  }
0x6f: {  	_ =	shalt  }
0x70: {  	_ =	shalt  }
0x71: {  	_ =	shalt  }
0x72: {  	_ =	shalt  }
0x73: {  	_ =	shalt  }
0x74: {  	_ =	shalt  }
0x75: {  	_ =	shalt  }
0x76: {  	_ =	shalt  }
0x77: {  	_ =	shalt  }
0x78: {  	_ =	shalt  }
0x79: {  	_ =	shalt  }
0x7a: {  	_ =	shalt  }
0x7b: {  	_ =	shalt  }
0x7c: {  	_ =	shalt  }
0x7d: {  	_ =	shalt  }
0x7e: {  	_ =	shalt  }
0x7f: {  	_ =	shalt  }
0x80: {  	_ =	shalt  }
0x81: {  	_ =	shalt  }
0x82: {  	_ =	shalt  }
0x83: {  	_ =	shalt  }
0x84: {  	_ =	shalt  }
0x85: {  	_ =	shalt  }
0x86: {  	_ =	shalt  }
0x87: {  	_ =	shalt  }
.Lfunc_end0:
.L_simem_size_0:
called_computation_lowered:
.L_overlay_start_0:
0x88: {  	s2 =	sld [smem:$0x3FD9]  }
0x89: {  	s3 =	sld [smem:$0x3FFE];
	_ =	sdelay $0x1  }
0x8a: {  	s1 =	srdreg.scid  }
0x8b: {  	s0 =	sand.u32 $0x1, s1  }
0x8c: {  	s15 =	sshll.u32 s0, $0xA;
	s2 =	sadd.s32 s3, s2  }
0x8d: {  	s2 =	sadd.s32 s2, s15  }
0x8e: {  	[smem:$0x3FC2] =	sst s2  }
0x8f: {  	_ = 	snop  }
0x90: {  	s2 =	sld [smem:$0x3FC9]  }
0x91: {  	s16 =	sld [smem:$0x3FD0]  }
0x92: {  	s4 =	sld [smem:$0x3FC7]  }
0x93: {  	s5 =	sld [smem:$0x3FC6]  }
0x94: {  	s7 =	simm.s32 $0xA;
	s8 =	simm.s32 $0x10;
	s6 =	sld [smem:$0x3FC4]  }
0x95: {  	[smem:s8], [sflag:s7] =	dma.local [hbm:s16], $0x1  }
0x96: {  	_ =	swait.eq [sflag:s7], $0x1  }
0x97: {  	[sflag:s7] =	ssyncset.done $0x0  }
0x98: {  	s17 =	sld [smem:$0x10];
	[sflag:s7] =	ssyncadd.s32 $0xFFFFFFFF  }
0x99: {  	s18 =	sld [smem:$0x12];
	(tm) =	ssettm $0x1  }
0x9a: {  	s19 =	sld [smem:$0x3FFB];
	_ =	sdelay $0x3  }
0x9b: {  	_ =	strace s19  }
0x9c: {  	s8 =	sld [smem:$0x3FFC];
	_ =	sdelay $0x3  }
0x9d: {  	_ =	strace s8  }
0x9e: {  	s8 =	sld [smem:$0x3FFD];
	_ =	sdelay $0x3  }
0x9f: {  	_ =	strace s8  }
0xa0: {  	_ =	strace $0x8FFFFFFF  }
0xa1: {  	s20 =	sld [smem:$0x3FDB];
	_ =	sdelay $0x1  }
0xa2: {  	s9 =	simm.s32 $_scs_section_size  }
0xa3: {  	s10 =	simm.s32 $_size__tile_overlayer_lowered;
	s11 =	simm.s32 $_tile_overlayer_lowered  }
0xa4: {  	s23 =	simm.s32 $0x1BFF;
	s22 =	sshll.u32 s11, $0x1;
	s8 =	sadd.s32 s9, s20  }
0xa5: {  	s12 =	simm.s32 $0x0;
	s21 =	sshll.u32 s10, $0x1;
	s10 =	sadd.s32 s22, s8  }
0xa6: {  	[timem:s12], [sflag:s23] =	dma.local [hbm:s10], s21  }
0xa7: {  	_ =	swait.ge [sflag:s23], s21  }
0xa8: {  	s9 =	ssub.s32 $0x0, s21;
	[sflag:s23] =	ssyncset.done $0x0  }
0xa9: {  	[sflag:s23] =	ssyncadd.s32 s9;
	_ =	sdelay $0x1  }
0xaa: {  	s24 =	simm.s32 $0x1B8B  }
0xab: {  	_ =	swait.ge [sflag:s24], $0x1  }
0xac: {  	[sflag:s24] =	ssyncset.done $0x0  }
0xad: {  	s25 =	simm.s32 $0x1B8E;
	[sflag:s24] =	ssyncadd.s32 $0xFFFFFFFF  }
0xae: {  	s26 =	simm.s32 $execute0_lowered;
	[smem:$0x3FD2] =	sst s25  }
0xaf: {  	s9 =	sshll.u32 s26, $0x1;
	_ =	strace $0x80000046;
	[dreg:$0x1] =	wrdreg $0xFFFFFFFF  }
0xb0: {  	s28 =	simm.s32 $_size_execute0_lowered;
	s8 =	sadd.s32 s8, s9;
	[dreg:$0x0] =	wrdreg $0x0  }
0xb1: {  	s9 =	sshll.u32 s28, $0x1;
	[dreg:$0x2] =	wrdreg s8  }
0xb2: {  	[dreg:$0x3] =	wrdreg s9  }
0xb3: {  	[dreg:$0x4] =	wrdreg $0xC0  }
0xb4: {  	_ =	task [dreg:s12], $0x5FFFF  }
0xb5: {  	[dreg:$0x1] =	wrdreg $0xFFFFFFFF  }
0xb6: {  	[dreg:$0x0] =	wrdreg $0x60  }
0xb7: {  	[dreg:$0x2] =	wrdreg s2  }
0xb8: {  	[dreg:$0x3] =	wrdreg s4  }
0xb9: {  	[dreg:$0x4] =	wrdreg s5  }
0xba: {  	[dreg:$0x5] =	wrdreg s6  }
0xbb: {  	[dreg:$0x6] =	wrdreg s17  }
0xbc: {  	[dreg:$0x7] =	wrdreg s18  }
0xbd: {  	[dreg:$0x8] =	wrdreg $0x29000  }
0xbe: {  	[dreg:$0x9] =	wrdreg $0x2A000  }
0xbf: {  	[dreg:$0xa] =	wrdreg $0x9  }
0xc0: {  	_ =	task.clear_ibuf [dreg:s12], $0xBFFFF;
	_ =	strace $0x90000046  }
0xc1: {  	s29 =	simm.s32 $0x9;
	_ =	strace $0x80000048  }
0xc2: {  	_ =	swait.ge [sflag:s29], $0x1  }
0xc3: {  	[sflag:s29] =	ssyncadd.s32 $0xFFFFFFFF  }
0xc4: {  	_ =	strace $0x90000048  }
0xc5: {  	_ =	sfence  }
0xc6: {  	s30 =	sld [smem:$0x0];
	_ =	sdelay $0x2  }
0xc7: {  	s31 =	sshll.u32 s1, $0xD;
	s1 =	sshrl.u32 s1, $0x2  }
0xc8: {  	s3 =	sand.u32 $0x4000, s31;
	s1 =	sadd.s32 s1, s30  }
0xc9: {  	s0 =	sor.u32 s3, s0;
	s1 =	sshll.u32 s1, $0x11  }
0xca: {  	s0 =	sor.u32 s1, s0  }
0xcb: {  	s0 =	sadd.s32 $0x8F2B, s0  }
0xcc: {  	[sflag:s0] =	ssyncadd.remote.s32 $0x1  }
0xcd: {  	_ =	sfence.sel $0xFFFF  }
0xce: {  	[dreg:$0x0] =	wrdreg $0xFFFFFFFF;
	(pc) =	sbr.abs _section_cstart, $3  }
0xcf: {  	[dreg:$0x1] =	wrdreg $0xFFFFFFFF  }
0xd0: {  	_ =	task.clear_ibuf [dreg:s12], $0x2FFFF;
	_ =	strace $0x9FFFFFFF  }
0xd1: {  	(tm) =	ssettm $0x7FFFFFFF  }
tec
execute0_lowered:
.L_overlay_start_1:
0x0: {  	(tag) =	ssettag $0x1  }
0x1: {  	s0 =	rddreg [dreg:$0x0]  }
0x2: {  	s1 =	rddreg [dreg:$0x1]  }
0x3: {  	s3 =	rddreg [dreg:$0x4]  }
0x4: {  	s6 =	rddreg [dreg:$0x5]  }
0x5: {  	s2 =	rddreg [dreg:$0x6]  }
0x6: {  	s5 =	srdreg.scid;
	s15 =	stileid.u32  }
0x7: {  	s4 =	rddreg [dreg:$0x7];
	s16 =	simm.s32 $0x2780;
	s28 =	simm.s32 $0x68  }
0x8: {  	s29 =	simm.s32 $0xF280;
	s31 =	simm.s32 $0x12680;
	s10 =	sand.u32 $0x1, s5  }
0x9: {  	s7 =	sshll.u32 s15, $0x1;
	s5 =	simm.s32 $0x0;
	s12 =	smul.u32 $0x4E200, s15  }
0xa: {  	p0 =	sne.s32 s15, $0x0;
	s25 =	sor.u32 s10, s7;
	s26 =	smul.u32 $0x27100, s10  }
0xb: {  	s15 =	simm.s32 $0x3;
	[smem:$0x7FF] =	sst s5;
	s8 =	smul.u32 $0x2710, s25  }
0xc: {  	s19 =	ssub.s32 $0x2, s10;
	s17 =	sshrl.u32 @!p0 s2, $0x3;
	s11 =	smul.u32 $0x9C00, s25  }
0xd: {  	s18 =	sshrl.u32 @!p0 s4, $0x3;
	_ =	strace $0x80000047;
	s21 =	smul.u32 $0x27, s25  }
0xe: {  	s9 =	sshrl.u32 s19, $0x1;
	s22 =	smul.u32 $0x1380, s25;
	s30 =	sadd.s32 s12, s6  }
0xf: {  	s12 =	sadd.s32 $0x27000, s3;
	p1 =	sne.s32 s25, $0x1F;
	s25 =	simm.s32 $0xCA80  }
0x10: {  	s13 =	ssub.s32 s19, s9;
	s14 =	sadd.s32 s26, s30;
	s19 =	simm.s32 $0x50  }
0x11: {  	s26 =	simm.s32 $0x2;
	s20 =	sshrl.u32 s8, $0x3;
	s23 =	sshrl.u32 s11, $0x3  }
0x12: {  	s24 =	sadd.s32 s0, s21;
	s13 =	smax.u32 s13, $0x1;
	s21 =	simm.s32 $0x1  }
0x13: {  	s1 =	sadd.s32 s1, s20;
	[dreg:$0xa] =	wrdreg s24;
	s11 =	sadd.s32 s3, s23  }
0x14: {  	s20 =	simm.s32 $0x2A80;
	s23 =	simm.s32 $0x7A80;
	s24 =	simm.s32 $0xA280  }
0x15: {  	[dreg:$0x9] =	wrdreg s1;
	s1 =	sadd.s32 s3, s22;
	s9 =	sadd.s32 $0x680, s11  }
0x16: {  	s10 =	sadd.s32 $0xD00, s11;
	s11 =	sadd.s32 $0x4E0, s0;
	s22 =	simm.s32 $0x5280  }
0x17: {  	s0 =	simm.s32 $0x15A80;
	[dreg:$0xb] =	wrdreg s1;
	s1 =	simm.s32 $0x0  }
.LBB2_1:
0x18: {  	s3 =	rddreg [dreg:$0x9]  }
0x19: {  	[tilespmem:s5], [sflag:$0x3] =	stream.linear.gather [hbm4b:s3+s5], $0x2710, $0x38;
	[tilespmem:$0x19680] =	vst v63  }
0x1a: {  	_ =	swait.ge [sflag:s15], $0x2710  }
0x1b: {  	[sflag:s15] =	ssyncset.done $0x0  }
0x1c: {  	s6 =	rddreg [dreg:$0xa];
	[sflag:s15] =	ssyncadd.s32 $0xFFFFD8F0  }
0x1d: {  	[tilespmem:s16], [sflag:$0x3] =	stream.linear.gather [hbm4b:s6+s5], $0x138, $0x38;
	[tilespmem:$0x19680] =	vst v63  }
0x1e: {  	_ =	swait.ge [sflag:s15], $0x138  }
0x1f: {  	[sflag:s15] =	ssyncset.done $0x0  }
0x20: {  	[sflag:s15] =	ssyncadd.s32 $0xFFFFFEC8  }
0x21: {  	s3 =	simm.s32 @!p0 $0x1C03;
	s6 =	rddreg [dreg:$0x2]  }
0x22: {  	[spmem:s17], [sflag:s3] =	dma.local @!p0 [hbm:s6], $0x200  }
0x23: {  	s6 =	simm.s32 @!p0 $0x3  }
0x24: {  	_ =	swait.ge @!p0 [sflag:s6], $0x200  }
0x25: {  	[sflag:s6] =	ssyncset.done @!p0 $0x0  }
0x26: {  	[sflag:s6] =	ssyncadd.s32 @!p0 $0xFFFFFE00  }
0x27: {  	s7 =	rddreg [dreg:$0x3]  }
0x28: {  	[spmem:s18], [sflag:s3] =	dma.local @!p0 [hbm:s7], $0x100  }
0x29: {  	_ =	swait.ge @!p0 [sflag:s6], $0x100  }
0x2a: {  	[sflag:s6] =	ssyncset.done @!p0 $0x0  }
0x2b: {  	[sflag:s6] =	ssyncadd.s32 @!p0 $0xFFFFFF00  }
0x2c: {  	s7 =	simm.s32 $0x0;
	[bflag:$0x0] =	sbarrier.arrive $0xFFFF  }
0x2d: {  	[tilespmem:s20], [sflag:$0x1] =	stream.indirect.gather [spmem:s4], $0x80, s7, s19, $0xb8;
	[tilespmem:$0x19680] =	vst v63  }
0x2e: {  	_ =	swait.ge [sflag:s21], $0x2800  }
0x2f: {  	[sflag:s21] =	ssyncset.done $0x0  }
0x30: {  	s3 =	sadd.s32 $0x0, s14;
	[sflag:s21] =	ssyncadd.s32 $0xFFFFD800  }
0x31: {  	[hbm4b:s3+s5] =	stream.linear.scatter [tilespmem:s20], [sflag:$0x2], $0x2800, $0x38;
	[tilespmem:$0x19680] =	vst v63  }
0x32: {  	s8 =	simm.s32 $0x50  }
0x33: {  	[tilespmem:s22], [sflag:$0x1] =	stream.indirect.gather [spmem:s4], $0x80, s8, s19, $0xb8;
	[tilespmem:$0x19680] =	vst v63  }
0x34: {  	_ =	swait.ge [sflag:s21], $0x2800  }
0x35: {  	[sflag:s21] =	ssyncset.done $0x0  }
0x36: {  	s7 =	sadd.s32 $0x500, s3;
	[sflag:s21] =	ssyncadd.s32 $0xFFFFD800  }
0x37: {  	[hbm4b:s7+s5] =	stream.linear.scatter [tilespmem:s22], [sflag:$0x2], $0x2800, $0x38;
	[tilespmem:$0x19680] =	vst v63  }
0x38: {  	s8 =	simm.s32 $0xA0  }
0x39: {  	[tilespmem:s23], [sflag:$0x1] =	stream.indirect.gather [spmem:s4], $0x80, s8, s19, $0xb8;
	[tilespmem:$0x19680] =	vst v63  }
0x3a: {  	_ =	swait.ge [sflag:s21], $0x2800  }
0x3b: {  	[sflag:s21] =	ssyncset.done $0x0  }
0x3c: {  	s7 =	sadd.s32 $0xA00, s3;
	[sflag:s21] =	ssyncadd.s32 $0xFFFFD800  }
0x3d: {  	[hbm4b:s7+s5] =	stream.linear.scatter [tilespmem:s23], [sflag:$0x2], $0x2800, $0x38;
	[tilespmem:$0x19680] =	vst v63  }
0x3e: {  	s8 =	simm.s32 $0xF0  }
0x3f: {  	[tilespmem:s24], [sflag:$0x1] =	stream.indirect.gather [spmem:s4], $0x80, s8, s19, $0xb8;
	[tilespmem:$0x19680] =	vst v63  }
0x40: {  	_ =	swait.ge [sflag:s21], $0x2800  }
0x41: {  	[sflag:s21] =	ssyncset.done $0x0  }
0x42: {  	s7 =	sadd.s32 $0xF00, s3;
	[sflag:s21] =	ssyncadd.s32 $0xFFFFD800  }
0x43: {  	[hbm4b:s7+s5] =	stream.linear.scatter [tilespmem:s24], [sflag:$0x2], $0x2800, $0x38;
	[tilespmem:$0x19680] =	vst v63  }
0x44: {  	s8 =	simm.s32 $0x140  }
0x45: {  	[tilespmem:s25], [sflag:$0x1] =	stream.indirect.gather [spmem:s4], $0x80, s8, s19, $0xb8;
	[tilespmem:$0x19680] =	vst v63  }
0x46: {  	_ =	swait.ge [sflag:s21], $0x2800  }
0x47: {  	[sflag:s21] =	ssyncset.done $0x0  }
0x48: {  	s3 =	sadd.s32 $0x1400, s3;
	[sflag:s21] =	ssyncadd.s32 $0xFFFFD800  }
0x49: {  	[hbm4b:s3+s5] =	stream.linear.scatter [tilespmem:s25], [sflag:$0x2], $0x2800, $0x38;
	[tilespmem:$0x19680] =	vst v63  }
0x4a: {  	_ =	swait.ge [sflag:s26], $0x2800  }
0x4b: {  	[sflag:s26] =	ssyncset.done $0x0  }
0x4c: {  	[sflag:s26] =	ssyncadd.s32 $0xFFFFD800  }
0x4d: {  	_ =	swait.ge [sflag:s26], $0x2800  }
0x4e: {  	[sflag:s26] =	ssyncset.done $0x0  }
0x4f: {  	[sflag:s26] =	ssyncadd.s32 $0xFFFFD800  }
0x50: {  	_ =	swait.ge [sflag:s26], $0x2800  }
0x51: {  	[sflag:s26] =	ssyncset.done $0x0  }
0x52: {  	[sflag:s26] =	ssyncadd.s32 $0xFFFFD800  }
0x53: {  	_ =	swait.ge [sflag:s26], $0x2800  }
0x54: {  	[sflag:s26] =	ssyncset.done $0x0  }
0x55: {  	[sflag:s26] =	ssyncadd.s32 $0xFFFFD800  }
0x56: {  	s30 =	simm.s32 $0x2D0;
	_ =	swait.ge [sflag:s26], $0x2800  }
0x57: {  	s6 =	simm.s32 $0x3200;
	s3 =	simm.s32 $0x1900;
	[sflag:s26] =	ssyncset.done $0x0  }
.LBB2_2:
0x58: {  	p2 =	sne.s32 s6, $0x25800;
	s7 =	sadd.s32 $0xFFFFFEC0, s30;
	[sflag:s26] =	ssyncadd.s32 $0xFFFFD800  }
0x59: {  	[tilespmem:s20], [sflag:$0x1] =	stream.indirect.gather [spmem:s4], $0x80, s7, s19, $0xb8;
	[tilespmem:$0x19680] =	vst v63  }
0x5a: {  	s7 =	smov.u32 s6;
	s6 =	sadd.s32 $0x1900, s6;
	_ =	swait.ge [sflag:s21], $0x2800  }
0x5b: {  	[sflag:s21] =	ssyncset.done $0x0  }
0x5c: {  	s8 =	sadd.s32 s3, s14;
	s3 =	smov.u32 s7;
	[sflag:s21] =	ssyncadd.s32 $0xFFFFD800  }
0x5d: {  	[hbm4b:s8+s5] =	stream.linear.scatter [tilespmem:s20], [sflag:$0x2], $0x2800, $0x38;
	[tilespmem:$0x19680] =	vst v63  }
0x5e: {  	s7 =	sadd.s32 $0xFFFFFF10, s30  }
0x5f: {  	[tilespmem:s22], [sflag:$0x1] =	stream.indirect.gather [spmem:s4], $0x80, s7, s19, $0xb8;
	[tilespmem:$0x19680] =	vst v63  }
0x60: {  	_ =	swait.ge [sflag:s21], $0x2800  }
0x61: {  	[sflag:s21] =	ssyncset.done $0x0  }
0x62: {  	s7 =	sadd.s32 $0x500, s8;
	[sflag:s21] =	ssyncadd.s32 $0xFFFFD800  }
0x63: {  	[hbm4b:s7+s5] =	stream.linear.scatter [tilespmem:s22], [sflag:$0x2], $0x2800, $0x38;
	[tilespmem:$0x19680] =	vst v63  }
0x64: {  	s7 =	sadd.s32 $0xFFFFFF60, s30  }
0x65: {  	[tilespmem:s23], [sflag:$0x1] =	stream.indirect.gather [spmem:s4], $0x80, s7, s19, $0xb8;
	[tilespmem:$0x19680] =	vst v63  }
0x66: {  	_ =	swait.ge [sflag:s21], $0x2800  }
0x67: {  	[sflag:s21] =	ssyncset.done $0x0  }
0x68: {  	s7 =	sadd.s32 $0xA00, s8;
	[sflag:s21] =	ssyncadd.s32 $0xFFFFD800  }
0x69: {  	[hbm4b:s7+s5] =	stream.linear.scatter [tilespmem:s23], [sflag:$0x2], $0x2800, $0x38;
	[tilespmem:$0x19680] =	vst v63  }
0x6a: {  	s7 =	sadd.s32 $0xFFFFFFB0, s30  }
0x6b: {  	[tilespmem:s24], [sflag:$0x1] =	stream.indirect.gather [spmem:s4], $0x80, s7, s19, $0xb8;
	[tilespmem:$0x19680] =	vst v63  }
0x6c: {  	_ =	swait.ge [sflag:s21], $0x2800  }
0x6d: {  	[sflag:s21] =	ssyncset.done $0x0  }
0x6e: {  	s7 =	sadd.s32 $0xF00, s8;
	[sflag:s21] =	ssyncadd.s32 $0xFFFFD800  }
0x6f: {  	[hbm4b:s7+s5] =	stream.linear.scatter [tilespmem:s24], [sflag:$0x2], $0x2800, $0x38;
	[tilespmem:$0x19680] =	vst v63  }
0x70: {  	_ = 	snop  }
0x71: {  	[tilespmem:s25], [sflag:$0x1] =	stream.indirect.gather [spmem:s4], $0x80, s30, s19, $0xb8;
	[tilespmem:$0x19680] =	vst v63  }
0x72: {  	_ =	swait.ge [sflag:s21], $0x2800  }
0x73: {  	[sflag:s21] =	ssyncset.done $0x0  }
0x74: {  	s7 =	sadd.s32 $0x1400, s8;
	[sflag:s21] =	ssyncadd.s32 $0xFFFFD800  }
0x75: {  	[hbm4b:s7+s5] =	stream.linear.scatter [tilespmem:s25], [sflag:$0x2], $0x2800, $0x38;
	[tilespmem:$0x19680] =	vst v63  }
0x76: {  	_ =	swait.ge [sflag:s26], $0x2800  }
0x77: {  	[sflag:s26] =	ssyncset.done $0x0  }
0x78: {  	[sflag:s26] =	ssyncadd.s32 $0xFFFFD800  }
0x79: {  	_ =	swait.ge [sflag:s26], $0x2800  }
0x7a: {  	[sflag:s26] =	ssyncset.done $0x0  }
0x7b: {  	[sflag:s26] =	ssyncadd.s32 $0xFFFFD800  }
0x7c: {  	_ =	swait.ge [sflag:s26], $0x2800  }
0x7d: {  	[sflag:s26] =	ssyncset.done $0x0  }
0x7e: {  	[sflag:s26] =	ssyncadd.s32 $0xFFFFD800  }
.Ltmp0:
0x7f: {  	_ =	swait.ge [sflag:s26], $0x2800;
	(pc) =	sbr.rel @p2 .LBB2_2-.Ltmp0, $4  }
0x80: {  	[sflag:s26] =	ssyncset.done $0x0  }
0x81: {  	[sflag:s26] =	ssyncadd.s32 $0xFFFFD800  }
0x82: {  	_ =	swait.ge [sflag:s26], $0x2800  }
0x83: {  	s30 =	sadd.s32 $0x190, s30;
	[sflag:s26] =	ssyncset.done $0x0  }
0x84: {  	s6 =	sadd.s32 $0xFFFFFEC0, s30;
	[sflag:s26] =	ssyncadd.s32 $0xFFFFD800  }
0x85: {  	[tilespmem:s20], [sflag:$0x1] =	stream.indirect.gather [spmem:s4], $0x80, s6, s19, $0xb8;
	[tilespmem:$0x19680] =	vst v63  }
0x86: {  	_ =	swait.ge [sflag:s21], $0x2800  }
0x87: {  	[sflag:s21] =	ssyncset.done $0x0  }
0x88: {  	s3 =	sadd.s32 s3, s14;
	[sflag:s21] =	ssyncadd.s32 $0xFFFFD800  }
0x89: {  	[hbm4b:s3+s5] =	stream.linear.scatter [tilespmem:s20], [sflag:$0x2], $0x2800, $0x38;
	[tilespmem:$0x19680] =	vst v63  }
0x8a: {  	s7 =	sadd.s32 $0xFFFFFF10, s30  }
0x8b: {  	[tilespmem:s22], [sflag:$0x1] =	stream.indirect.gather [spmem:s4], $0x80, s7, s19, $0xb8;
	[tilespmem:$0x19680] =	vst v63  }
0x8c: {  	_ =	swait.ge [sflag:s21], $0x2800  }
0x8d: {  	[sflag:s21] =	ssyncset.done $0x0  }
0x8e: {  	s8 =	sadd.s32 $0x500, s3;
	[sflag:s21] =	ssyncadd.s32 $0xFFFFD800  }
0x8f: {  	[hbm4b:s8+s5] =	stream.linear.scatter [tilespmem:s22], [sflag:$0x2], $0x2800, $0x38;
	[tilespmem:$0x19680] =	vst v63  }
0x90: {  	s7 =	sadd.s32 $0xFFFFFF60, s30  }
0x91: {  	[tilespmem:s23], [sflag:$0x1] =	stream.indirect.gather [spmem:s4], $0x80, s7, s19, $0xb8;
	[tilespmem:$0x19680] =	vst v63  }
0x92: {  	_ =	swait.ge [sflag:s21], $0x2800  }
0x93: {  	[sflag:s21] =	ssyncset.done $0x0  }
0x94: {  	s8 =	sadd.s32 $0xA00, s3;
	[sflag:s21] =	ssyncadd.s32 $0xFFFFD800  }
0x95: {  	[hbm4b:s8+s5] =	stream.linear.scatter [tilespmem:s23], [sflag:$0x2], $0x2800, $0x38;
	[tilespmem:$0x19680] =	vst v63  }
0x96: {  	s7 =	sadd.s32 $0xFFFFFFB0, s30  }
0x97: {  	[tilespmem:s24], [sflag:$0x1] =	stream.indirect.gather [spmem:s4], $0x80, s7, s19, $0xb8;
	[tilespmem:$0x19680] =	vst v63  }
0x98: {  	_ =	swait.ge [sflag:s21], $0x2800  }
0x99: {  	[sflag:s21] =	ssyncset.done $0x0  }
0x9a: {  	s8 =	sadd.s32 $0xF00, s3;
	[sflag:s21] =	ssyncadd.s32 $0xFFFFD800  }
0x9b: {  	[hbm4b:s8+s5] =	stream.linear.scatter [tilespmem:s24], [sflag:$0x2], $0x2800, $0x38;
	[tilespmem:$0x19680] =	vst v63  }
0x9c: {  	_ = 	snop  }
0x9d: {  	[tilespmem:s25], [sflag:$0x1] =	stream.indirect.gather [spmem:s4], $0x80, s30, s19, $0xb8;
	[tilespmem:$0x19680] =	vst v63  }
0x9e: {  	_ =	swait.ge [sflag:s21], $0x2800  }
0x9f: {  	[sflag:s21] =	ssyncset.done $0x0  }
0xa0: {  	s3 =	sadd.s32 $0x1400, s3;
	[sflag:s21] =	ssyncadd.s32 $0xFFFFD800  }
0xa1: {  	[hbm4b:s3+s5] =	stream.linear.scatter [tilespmem:s25], [sflag:$0x2], $0x2800, $0x38;
	[tilespmem:$0x19680] =	vst v63  }
0xa2: {  	_ =	swait.ge [sflag:s26], $0x2800  }
0xa3: {  	[sflag:s26] =	ssyncset.done $0x0  }
0xa4: {  	[sflag:s26] =	ssyncadd.s32 $0xFFFFD800  }
0xa5: {  	_ =	swait.ge [sflag:s26], $0x2800  }
0xa6: {  	[sflag:s26] =	ssyncset.done $0x0  }
0xa7: {  	[sflag:s26] =	ssyncadd.s32 $0xFFFFD800  }
0xa8: {  	_ =	swait.ge [sflag:s26], $0x2800  }
0xa9: {  	[sflag:s26] =	ssyncset.done $0x0  }
0xaa: {  	[sflag:s26] =	ssyncadd.s32 $0xFFFFD800  }
0xab: {  	_ =	swait.ge [sflag:s26], $0x2800  }
0xac: {  	[sflag:s26] =	ssyncset.done $0x0  }
0xad: {  	[sflag:s26] =	ssyncadd.s32 $0xFFFFD800  }
0xae: {  	_ =	swait.ge [sflag:s26], $0x2800  }
0xaf: {  	[sflag:s26] =	ssyncset.done $0x0  }
0xb0: {  	[sflag:s26] =	ssyncadd.s32 $0xFFFFD800  }
0xb1: {  	[tilespmem:s29], [sflag:$0x1] =	stream.indirect.gather [spmem:s2], $0x80, s16, s28, $0xb8;
	[tilespmem:$0x19680] =	vst v63  }
0xb2: {  	_ =	swait.ge [sflag:s21], $0x3400  }
0xb3: {  	[sflag:s21] =	ssyncset.done $0x0  }
0xb4: {  	s7 =	rddreg [dreg:$0xb];
	[sflag:s21] =	ssyncadd.s32 $0xFFFFCC00  }
0xb5: {  	[hbm4b:s7+s5] =	stream.linear.scatter [tilespmem:s29], [sflag:$0x2], $0x3400, $0x38;
	[tilespmem:$0x19680] =	vst v63  }
0xb6: {  	s8 =	simm.s32 $0x27E8  }
0xb7: {  	[tilespmem:s31], [sflag:$0x1] =	stream.indirect.gather [spmem:s2], $0x80, s8, s28, $0xb8;
	[tilespmem:$0x19680] =	vst v63  }
0xb8: {  	_ =	swait.ge [sflag:s21], $0x3400  }
0xb9: {  	[sflag:s21] =	ssyncset.done $0x0  }
0xba: {  	[sflag:s21] =	ssyncadd.s32 $0xFFFFCC00  }
0xbb: {  	[hbm4b:s9+s5] =	stream.linear.scatter [tilespmem:s31], [sflag:$0x2], $0x3400, $0x38;
	[tilespmem:$0x19680] =	vst v63  }
0xbc: {  	s30 =	simm.s32 $0x2850  }
0xbd: {  	[tilespmem:s0], [sflag:$0x1] =	stream.indirect.gather [spmem:s2], $0x80, s30, s28, $0xb8;
	[tilespmem:$0x19680] =	vst v63  }
0xbe: {  	_ =	swait.ge [sflag:s21], $0x3400  }
0xbf: {  	[sflag:s21] =	ssyncset.done $0x0  }
0xc0: {  	[sflag:s21] =	ssyncadd.s32 $0xFFFFCC00  }
0xc1: {  	[hbm4b:s10+s5] =	stream.linear.scatter [tilespmem:s0], [sflag:$0x2], $0x3400, $0x38;
	[tilespmem:$0x19680] =	vst v63  }
0xc2: {  	s6 =	simm.s32 @!p1 $0x28B8;
	s3 =	simm.s32 @!p1 $0x0;
	s7 =	simm.s32 @!p1 $0x3  }
0xc3: {  	[tilespmem:s6], [sflag:$0x3] =	stream.linear.gather @!p1 [hbm4b:s11+s3], $0x10, $0x38;
	[tilespmem:$0x19680] =	vst v63  }
0xc4: {  	_ =	swait.ge @!p1 [sflag:s7], $0x10  }
0xc5: {  	[sflag:s7] =	ssyncset.done @!p1 $0x0  }
0xc6: {  	s8 =	simm.s32 @!p1 $0x18E80;
	[sflag:s7] =	ssyncadd.s32 @!p1 $0xFFFFFFF0;
	s7 =	simm.s32 @!p1 $0x10  }
0xc7: {  	[tilespmem:s8], [sflag:$0x1] =	stream.indirect.gather @!p1 [spmem:s2], $0x80, s6, s7, $0xb8;
	[tilespmem:$0x19680] =	vst v63  }
0xc8: {  	s6 =	simm.s32 @!p1 $0x1  }
0xc9: {  	_ =	swait.ge @!p1 [sflag:s6], $0x800  }
0xca: {  	[sflag:s6] =	ssyncset.done @!p1 $0x0  }
0xcb: {  	[sflag:s6] =	ssyncadd.s32 @!p1 $0xFFFFF800  }
0xcc: {  	[hbm4b:s12+s3] =	stream.linear.scatter @!p1 [tilespmem:s8], [sflag:$0x2], $0x800, $0x38;
	[tilespmem:$0x19680] =	vst v63  }
0xcd: {  	s3 =	simm.s32 @!p1 $0x2  }
0xce: {  	_ =	swait.ge @!p1 [sflag:s3], $0x800  }
0xcf: {  	[sflag:s3] =	ssyncset.done @!p1 $0x0  }
0xd0: {  	[sflag:s3] =	ssyncadd.s32 @!p1 $0xFFFFF800  }
0xd1: {  	_ =	swait.ge [sflag:s26], $0x3400  }
0xd2: {  	[sflag:s26] =	ssyncset.done $0x0  }
0xd3: {  	s1 =	sadd.s32 $0x1, s1;
	[sflag:s26] =	ssyncadd.s32 $0xFFFFCC00  }
0xd4: {  	p2 =	sne.s32 s1, s13;
	_ =	swait.ge [sflag:s26], $0x3400  }
.Ltmp1:
0xd5: {  	[sflag:s26] =	ssyncset.done $0x0;
	(pc) =	sbr.rel @p2 .LBB2_1-.Ltmp1, $4  }
0xd6: {  	[sflag:s26] =	ssyncadd.s32 $0xFFFFCC00  }
0xd7: {  	_ =	swait.ge [sflag:s26], $0x3400  }
0xd8: {  	[sflag:s26] =	ssyncset.done $0x0  }
0xd9: {  	[sflag:s26] =	ssyncadd.s32 $0xFFFFCC00  }
0xda: {  	_ =	sfence.sel $0x180000  }
0xdb: {  	[bflag:$0x0] =	sbarrier.arrive $0xFFFF  }
0xdc: {  	_ =	strace $0x90000047  }
0xdd: {  	[bflag:$0x2] =	sbarrier.arrive $0xFFFF  }
0xde: {  	s0 =	rddreg [dreg:$0x8]  }
0xdf: {  	s0 =	sadd.s32 @!p0 $0x100000, s0  }
0xe0: {  	[sflag:s0] =	ssyncadd.tile.s32 @!p0 $0x1;
	_ =	shalt  }
.Lfunc_end2:
_tile_overlayer_lowered:
.L_overlay_start_2:
0xe1: {  	(tag) =	ssettag $0x2  }
0xe2: {  	s0 =	rddreg [dreg:$0x0];
	s2 =	stileid.u32  }
0xe3: {  	s1 =	rddreg [dreg:$0x1];
	p0 =	sne.s32 s2, $0x0  }
0xe4: {  	s3 =	rddreg [dreg:$0x2];
	[bflag:$0x3] =	sbarrier.arrive $0xFFFF;
	s2 =	simm.s32 @!p0 $0x1C03  }
0xe5: {  	[timem:s3], [sflag:s2] =	dma.local @!p0 [hbm:s0], s1  }
0xe6: {  	s0 =	simm.s32 @!p0 $0x3  }
0xe7: {  	_ =	swait.ge @!p0 [sflag:s0], s1  }
0xe8: {  	s1 =	ssub.s32 @!p0 $0x0, s1;
	[sflag:s0] =	ssyncset.done @!p0 $0x0  }
0xe9: {  	[sflag:s0] =	ssyncadd.s32 @!p0 s1  }
0xea: {  	[bflag:$0x3] =	sbarrier.arrive $0xFFFF  }
0xeb: {  	_ =	shalt  }

</sc_bundles>
